<compile_context>
chip_gen: v7x
topology: tpu7x:2x2x1
jax: 0.10.2.dev20260603
libtpu: 0.0.44.dev20260713+nightly
codegen_flags: <defaults>
</compile_context>

<pallas_src>
import functools

import jax
import jax.numpy as jnp
import numpy as np
from jax import lax
from jax.experimental import pallas as pl
from jax.experimental.pallas import tpu as pltpu
from jax.experimental.pallas import tpu_sc as plsc

N = 10000
E = 320000
D = 128

NC = 2
NS = 16
NW = NC * NS
CHUNK = 128
NCHUNK = 79
EPW = NCHUNK * CHUNK
EPAD = NW * EPW
NPAD = 10240
TROWS = NPAD // NS
DUMMY = NPAD - 1


def _sc_mesh():
    return plsc.VectorSubcoreMesh(core_axis_name="c", subcore_axis_name="s",
                                  num_cores=NC, num_subcores=NS)


def _deg_pass(ei, zrow, onesrc, onedst):

    @functools.partial(
        pl.kernel,
        out_type=jax.ShapeDtypeStruct((NC, NPAD, D), jnp.float32),
        mesh=_sc_mesh(),
        scratch_types=[
            pltpu.VMEM((2, NCHUNK, CHUNK), jnp.int32),
            pltpu.VMEM((CHUNK, D), jnp.float32),
            pltpu.VMEM_SHARED((NPAD, D), jnp.float32),
        ],
    )
    def deg_k(ei_hbm, z_hbm, os_hbm, od_hbm, out_hbm, idx_v, buf_v, acc_sh):
        c = lax.axis_index("c")
        s = lax.axis_index("s")
        wid = s * NC + c
        pltpu.sync_copy(ei_hbm.at[0, wid], idx_v.at[0])
        pltpu.sync_copy(ei_hbm.at[1, wid], idx_v.at[1])
        pltpu.sync_copy(z_hbm, buf_v)
        row0 = s * TROWS

        def zbody(k, carry):
            pltpu.sync_copy(buf_v, acc_sh.at[pl.ds(row0 + k * CHUNK, CHUNK)])
            return carry

        lax.fori_loop(0, TROWS // CHUNK, zbody, 0)
        plsc.subcore_barrier()

        pltpu.sync_copy(os_hbm, buf_v)

        def sbody(j, carry):
            pltpu.sync_copy(buf_v, acc_sh.at[idx_v.at[0, j]], add=True)
            return carry

        lax.fori_loop(0, NCHUNK, sbody, 0)
        pltpu.sync_copy(od_hbm, buf_v)

        def dbody(j, carry):
            pltpu.sync_copy(buf_v, acc_sh.at[idx_v.at[1, j]], add=True)
            return carry

        lax.fori_loop(0, NCHUNK, dbody, 0)
        plsc.subcore_barrier()

        def wbody(k, carry):
            pltpu.sync_copy(acc_sh.at[pl.ds(row0 + k * CHUNK, CHUNK)], buf_v)
            pltpu.sync_copy(buf_v, out_hbm.at[c, pl.ds(row0 + k * CHUNK, CHUNK)])
            return carry

        lax.fori_loop(0, TROWS // CHUNK, wbody, 0)

    return deg_k(ei, zrow, onesrc, onedst)


def _spmm_pass(hs, ei, zrow):

    @functools.partial(
        pl.kernel,
        out_type=jax.ShapeDtypeStruct((NC, NPAD, D), jnp.float32),
        mesh=_sc_mesh(),
        scratch_types=[
            pltpu.VMEM((NCHUNK, CHUNK), jnp.int32),
            pltpu.VMEM((2, CHUNK), jnp.int32),
            pltpu.VMEM((2, CHUNK, D), jnp.float32),
            pltpu.SemaphoreType.DMA((2,)),
            pltpu.SemaphoreType.DMA((2,)),
            pltpu.VMEM_SHARED((NPAD, D), jnp.float32),
        ],
    )
    def spmm_k(hs_hbm, ei_hbm, z_hbm, out_hbm, sidx_v, didx_v, rows_v, gsem, isem, acc_sh):
        c = lax.axis_index("c")
        s = lax.axis_index("s")
        wid = s * NC + c
        pltpu.sync_copy(ei_hbm.at[0, wid], sidx_v)
        pltpu.sync_copy(z_hbm, rows_v.at[0])
        row0 = s * TROWS

        def zbody(k, carry):
            pltpu.sync_copy(rows_v.at[0], acc_sh.at[pl.ds(row0 + k * CHUNK, CHUNK)])
            return carry

        lax.fori_loop(0, TROWS // CHUNK, zbody, 0)
        plsc.subcore_barrier()

        pltpu.async_copy(ei_hbm.at[1, wid, 0], didx_v.at[0], isem.at[0])
        pltpu.async_copy(hs_hbm.at[sidx_v.at[0]], rows_v.at[0], gsem.at[0])

        def body(j, carry):
            b = lax.rem(j, 2)
            nb = lax.rem(j + 1, 2)

            @pl.when(j + 1 < NCHUNK)
            def _prefetch():
                pltpu.async_copy(ei_hbm.at[1, wid, j + 1], didx_v.at[nb],
                                 isem.at[nb])
                pltpu.async_copy(hs_hbm.at[sidx_v.at[j + 1]], rows_v.at[nb],
                                 gsem.at[nb])

            pltpu.make_async_copy(hs_hbm.at[sidx_v.at[j]], rows_v.at[b],
                                  gsem.at[b]).wait()
            pltpu.make_async_copy(ei_hbm.at[1, wid, j], didx_v.at[b],
                                  isem.at[b]).wait()
            pltpu.sync_copy(rows_v.at[b], acc_sh.at[didx_v.at[b]], add=True)
            return carry

        lax.fori_loop(0, NCHUNK, body, 0)
        plsc.subcore_barrier()

        def wbody(k, carry):
            pltpu.sync_copy(acc_sh.at[pl.ds(row0 + k * CHUNK, CHUNK)], rows_v.at[0])
            pltpu.sync_copy(rows_v.at[0], out_hbm.at[c, pl.ds(row0 + k * CHUNK, CHUNK)])
            return carry

        lax.fori_loop(0, TROWS // CHUNK, wbody, 0)

    return spmm_k(hs, ei, zrow)


_BLK = 1280
_G = NPAD // _BLK


def _prep_pass(degp, h_pad):

    def body(degp_ref, h_ref, hs_ref, norms_ref):
        deg = degp_ref[0] + degp_ref[1]
        norm = lax.rsqrt(jnp.maximum(deg, 1.0))
        norms_ref[...] = norm
        hs_ref[...] = h_ref[...] * norm[:, 0:1]

    return pl.pallas_call(
        body,
        grid=(_G,),
        in_specs=[
            pl.BlockSpec((NC, _BLK, D), lambda i: (0, i, 0)),
            pl.BlockSpec((_BLK, D), lambda i: (i, 0)),
        ],
        out_specs=[
            pl.BlockSpec((_BLK, D), lambda i: (i, 0)),
            pl.BlockSpec((_BLK, D), lambda i: (i, 0)),
        ],
        out_shape=[
            jax.ShapeDtypeStruct((NPAD, D), jnp.float32),
            jax.ShapeDtypeStruct((NPAD, D), jnp.float32),
        ],
    )(degp, h_pad)


def _mid_pass(p, norms, W1, b1r):

    def body(p_ref, n_ref, w_ref, b_ref, o_ref):
        i = pl.program_id(0)
        agg = p_ref[0] + p_ref[1]
        hd = agg * n_ref[:, 1:2]
        x = jnp.dot(hd, w_ref[...], preferred_element_type=jnp.float32)
        x = jnp.maximum(x + b_ref[...], 0.0)
        rid = lax.broadcasted_iota(jnp.int32, (_BLK, D), 0) + i * _BLK
        x = jnp.where(rid < N, x, 0.0)
        o_ref[...] = x * n_ref[:, 0:1]

    return pl.pallas_call(
        body,
        grid=(_G,),
        in_specs=[
            pl.BlockSpec((NC, _BLK, D), lambda i: (0, i, 0)),
            pl.BlockSpec((_BLK, D), lambda i: (i, 0)),
            pl.BlockSpec((D, D), lambda i: (0, 0)),
            pl.BlockSpec((1, D), lambda i: (0, 0)),
        ],
        out_specs=pl.BlockSpec((_BLK, D), lambda i: (i, 0)),
        out_shape=jax.ShapeDtypeStruct((NPAD, D), jnp.float32),
    )(p, norms, W1, b1r)


def _final_pass(q, norms, W2, b2r, wrT, brr):

    def body(q_ref, n_ref, w_ref, b_ref, wr_ref, br_ref, o_ref, acc_ref):
        i = pl.program_id(0)

        @pl.when(i == 0)
        def _zero():
            acc_ref[...] = jnp.zeros_like(acc_ref)

        agg = q_ref[0] + q_ref[1]
        hd = agg * n_ref[:, 1:2]
        x = jnp.dot(hd, w_ref[...], preferred_element_type=jnp.float32)
        x = jnp.maximum(x + b_ref[...], 0.0)
        rid = lax.broadcasted_iota(jnp.int32, (_BLK, D), 0) + i * _BLK
        x = jnp.where(rid < N, x, 0.0)
        acc_ref[...] += jnp.sum(x, axis=0, keepdims=True)

        @pl.when(i == _G - 1)
        def _readout():
            hg = acc_ref[...] * np.float32(1.0 / N)
            o_ref[...] = jnp.sum(hg * wr_ref[...], axis=1, keepdims=True) + br_ref[...]

    return pl.pallas_call(
        body,
        grid=(_G,),
        in_specs=[
            pl.BlockSpec((NC, _BLK, D), lambda i: (0, i, 0)),
            pl.BlockSpec((_BLK, D), lambda i: (i, 0)),
            pl.BlockSpec((D, D), lambda i: (0, 0)),
            pl.BlockSpec((1, D), lambda i: (0, 0)),
            pl.BlockSpec((1, D), lambda i: (0, 0)),
            pl.BlockSpec((1, 1), lambda i: (0, 0)),
        ],
        out_specs=pl.BlockSpec((1, 1), lambda i: (0, 0)),
        out_shape=jax.ShapeDtypeStruct((1, 1), jnp.float32),
        scratch_shapes=[pltpu.VMEM((1, D), jnp.float32)],
    )(q, norms, W2, b2r, wrT, brr)


def kernel(h, edge_index, W1, b1, W2, b2, Wr, br):
    h_pad = jnp.pad(h, ((0, NPAD - N), (0, 0)))
    pad = jnp.full((2, EPAD - E), DUMMY, jnp.int32)
    ei = jnp.concatenate([edge_index, pad], axis=1).reshape(2, NW, NCHUNK, CHUNK)

    zrow = jnp.zeros((CHUNK, D), jnp.float32)
    col = jnp.arange(D, dtype=jnp.int32)
    onesrc = jnp.broadcast_to((col == 0).astype(jnp.float32), (CHUNK, D))
    onedst = jnp.broadcast_to((col == 1).astype(jnp.float32), (CHUNK, D))

    degp = _deg_pass(ei, zrow, onesrc, onedst)
    hs1, norms = _prep_pass(degp, h_pad)
    p1 = _spmm_pass(hs1, ei, zrow)
    hs2 = _mid_pass(p1, norms, W1, b1.reshape(1, D))
    p2 = _spmm_pass(hs2, ei, zrow)
    return _final_pass(p2, norms, W2, b2.reshape(1, D),
                       Wr.reshape(1, D), br.reshape(1, 1))

# --- scband reference (transcript-rebuilt; emitter-appended) ---
"""Pipeline reference for scband-graph-regression-78400333021807 (READ-ONLY COPY).

The authoritative reference and input builder live on the scoring server;
editing this copy changes nothing except your own understanding.
"""

import jax, jax.numpy as jnp
import numpy as np

N = 10000
E = 320000
D = 128
H = 128


def setup_inputs(seed: int = 0) -> dict:
    key = jax.random.key(seed)
    k1, k2, k3, k4, k5, k6, k7, k8 = jax.random.split(key, 8)
    h = jax.random.normal(k1, (N, D), dtype=jnp.float32)
    edge_index = jax.random.randint(k2, (2, E), 0, N, dtype=jnp.int32)
    W1 = jax.random.normal(k3, (D, H), dtype=jnp.float32) * 0.05
    b1 = jnp.zeros((H,), dtype=jnp.float32)
    W2 = jax.random.normal(k4, (H, H), dtype=jnp.float32) * 0.05
    b2 = jnp.zeros((H,), dtype=jnp.float32)
    Wr = jax.random.normal(k5, (H, 1), dtype=jnp.float32) * 0.05
    br = jnp.zeros((1,), dtype=jnp.float32)
    return {"h": h, "edge_index": edge_index, "W1": W1, "b1": b1, "W2": W2, "b2": b2, "Wr": Wr, "br": br}


def _gcn_layer(x, src, dst, W, b, norm_src, norm_dst):
    # DGL GraphConv with norm='both': D_src^{-1/2} A D_dst^{-1/2} X W + b
    hs = x * norm_src[:, None]
    msg = jnp.take(hs, src, axis=0)
    agg = jax.ops.segment_sum(msg, dst, num_segments=N)
    hd = agg * norm_dst[:, None]
    return hd @ W + b


def reference(h, edge_index, W1, b1, W2, b2, Wr, br):
    src = edge_index[0]
    dst = edge_index[1]
    deg_out = jnp.maximum(jnp.bincount(src, length=N), 1).astype(jnp.float32)
    deg_in = jnp.maximum(jnp.bincount(dst, length=N), 1).astype(jnp.float32)
    norm_src = deg_out ** -0.5
    norm_dst = deg_in ** -0.5
    # GraphConv 1 with internal relu activation
    x = _gcn_layer(h, src, dst, W1, b1, norm_src, norm_dst)
    x = jax.nn.relu(x)
    # GraphConv 2 (no internal activation)
    x = _gcn_layer(x, src, dst, W2, b2, norm_src, norm_dst)
    # external relu in forward
    x = jax.nn.relu(x)
    # dgl.mean_nodes over a single graph -> [1, H]
    hg = jnp.mean(x, axis=0, keepdims=True)
    # readout linear -> [1, 1]
    return hg @ Wr + br

if __name__ == "__main__":
    import jax
    _d = setup_inputs()
    print(jax.jit(kernel)(*tuple(_d.values())))

</pallas_src>

<mosaic_0001>
#map = affine_map<(d0, d1) -> (0, 0, 0, 0)>
#map1 = affine_map<(d0, d1) -> (0, 0)>
#map2 = affine_map<(d0, d1) -> (0, 0, 0)>
module attributes {stable_mosaic.version = 14 : i64} {
  func.func @deg_k(%arg0: i32, %arg1: i32, %arg2: memref<2x32x79x128xi32, #tpu.memory_space<hbm>>, %arg3: memref<128x128xf32, #tpu.memory_space<hbm>>, %arg4: memref<128x128xf32, #tpu.memory_space<hbm>>, %arg5: memref<128x128xf32, #tpu.memory_space<hbm>>, %arg6: memref<2x10240x128xf32, #tpu.memory_space<hbm>>, %arg7: memref<2x79x128xi32, #tpu.memory_space<vmem>>, %arg8: memref<128x128xf32, #tpu.memory_space<vmem>>, %arg9: memref<10240x128xf32, #tpu.memory_space<vmem_shared>>) attributes {dimension_semantics = [#tpu.dimension_semantics<core_parallel>, #tpu.dimension_semantics<subcore_parallel>], iteration_bounds = array<i64: 2, 16>, scalar_prefetch = 0 : i64, scratch_operands = 3 : i64, tpu.core_type = #tpu.core_type<sc_vector_subcore>, window_params = [{transform_indices = #map}, {transform_indices = #map1}, {transform_indices = #map1}, {transform_indices = #map1}, {transform_indices = #map2}]} {
    %mul3A = arith.constant 2 : i32
    %mul3A_0 = arith.muli %arg1, %mul3A : i32
    %add3A = arith.addi %mul3A_0, %arg0 : i32
    %run_scoped3A = arith.constant 0 : i32
    %run_scoped3A_1 = arith.constant 0 : i32
    "tpu.region"() ({
      %run_scoped3A_30 = tpu.sem_alloc : memref<!tpu.dma_semaphore, #tpu.memory_space<semaphore_mem>>
      %dma_start3A = arith.constant 0 : i32
      %dma_start3A_31 = arith.constant 0 : i32
      %dma_start3A_32 = tpu.memref_slice %arg7[%run_scoped3A_1, %dma_start3A, %dma_start3A_31] : memref<2x79x128xi32, #tpu.memory_space<vmem>> -> memref<1x79x128xi32, #tpu.memory_space<vmem>>
      %dma_start3A_33 = tpu.memref_squeeze %dma_start3A_32 : memref<1x79x128xi32, #tpu.memory_space<vmem>> -> memref<79x128xi32, #tpu.memory_space<vmem>>
      %dma_start3A_34 = arith.constant 0 : i32
      %dma_start3A_35 = arith.constant 0 : i32
      %dma_start3A_36 = tpu.memref_slice %arg2[%run_scoped3A, %add3A, %dma_start3A_34, %dma_start3A_35] : memref<2x32x79x128xi32, #tpu.memory_space<hbm>> -> memref<1x1x79x128xi32, #tpu.memory_space<hbm>>
      %dma_start3A_37 = tpu.memref_squeeze %dma_start3A_36 : memref<1x1x79x128xi32, #tpu.memory_space<hbm>> -> memref<79x128xi32, #tpu.memory_space<hbm>>
      %dma_start3A_38 = arith.constant 0 : i32
      %dma_start3A_39 = arith.constant 0 : i32
      %dma_start3A_40 = tpu.memref_slice %arg7[%run_scoped3A_1, %dma_start3A_38, %dma_start3A_39] : memref<2x79x128xi32, #tpu.memory_space<vmem>> -> memref<1x79x128xi32, #tpu.memory_space<vmem>>
      %dma_start3A_41 = tpu.memref_squeeze %dma_start3A_40 : memref<1x79x128xi32, #tpu.memory_space<vmem>> -> memref<79x128xi32, #tpu.memory_space<vmem>>
      %dma_start3A_42 = arith.constant 0 : i32
      %dma_start3A_43 = arith.constant 0 : i32
      %dma_start3A_44 = tpu.memref_slice %arg2[%run_scoped3A, %add3A, %dma_start3A_42, %dma_start3A_43] : memref<2x32x79x128xi32, #tpu.memory_space<hbm>> -> memref<1x1x79x128xi32, #tpu.memory_space<hbm>>
      %dma_start3A_45 = tpu.memref_squeeze %dma_start3A_44 : memref<1x1x79x128xi32, #tpu.memory_space<hbm>> -> memref<79x128xi32, #tpu.memory_space<hbm>>
      tpu.enqueue_dma source(%dma_start3A_45 : memref<79x128xi32, #tpu.memory_space<hbm>>) target(%dma_start3A_41 : memref<79x128xi32, #tpu.memory_space<vmem>>) target_semaphore(%run_scoped3A_30 : memref<!tpu.dma_semaphore, #tpu.memory_space<semaphore_mem>>)
      %dma_wait3A = arith.constant 0 : i32
      %dma_wait3A_46 = arith.constant 0 : i32
      %dma_wait3A_47 = tpu.memref_slice %arg7[%run_scoped3A_1, %dma_wait3A, %dma_wait3A_46] : memref<2x79x128xi32, #tpu.memory_space<vmem>> -> memref<1x79x128xi32, #tpu.memory_space<vmem>>
      %dma_wait3A_48 = tpu.memref_squeeze %dma_wait3A_47 : memref<1x79x128xi32, #tpu.memory_space<vmem>> -> memref<79x128xi32, #tpu.memory_space<vmem>>
      %dma_wait3A_49 = arith.constant 0 : i32
      %dma_wait3A_50 = arith.constant 0 : i32
      %dma_wait3A_51 = tpu.memref_slice %arg2[%run_scoped3A, %add3A, %dma_wait3A_49, %dma_wait3A_50] : memref<2x32x79x128xi32, #tpu.memory_space<hbm>> -> memref<1x1x79x128xi32, #tpu.memory_space<hbm>>
      %dma_wait3A_52 = tpu.memref_squeeze %dma_wait3A_51 : memref<1x1x79x128xi32, #tpu.memory_space<hbm>> -> memref<79x128xi32, #tpu.memory_space<hbm>>
      %dma_wait3A_53 = arith.constant 0 : i32
      %dma_wait3A_54 = arith.constant 0 : i32
      %dma_wait3A_55 = tpu.memref_slice %arg7[%run_scoped3A_1, %dma_wait3A_53, %dma_wait3A_54] : memref<2x79x128xi32, #tpu.memory_space<vmem>> -> memref<1x79x128xi32, #tpu.memory_space<vmem>>
      %dma_wait3A_56 = tpu.memref_squeeze %dma_wait3A_55 : memref<1x79x128xi32, #tpu.memory_space<vmem>> -> memref<79x128xi32, #tpu.memory_space<vmem>>
      %dma_wait3A_57 = arith.constant 0 : i32
      %dma_wait3A_58 = arith.constant 0 : i32
      %dma_wait3A_59 = tpu.memref_slice %arg2[%run_scoped3A, %add3A, %dma_wait3A_57, %dma_wait3A_58] : memref<2x32x79x128xi32, #tpu.memory_space<hbm>> -> memref<1x1x79x128xi32, #tpu.memory_space<hbm>>
      %dma_wait3A_60 = tpu.memref_squeeze %dma_wait3A_59 : memref<1x1x79x128xi32, #tpu.memory_space<hbm>> -> memref<79x128xi32, #tpu.memory_space<hbm>>
      tpu.wait_dma2 semaphore(%run_scoped3A_30 : memref<!tpu.dma_semaphore, #tpu.memory_space<semaphore_mem>>) src(%dma_wait3A_60 : memref<79x128xi32, #tpu.memory_space<hbm>>) dst(%dma_wait3A_56 : memref<79x128xi32, #tpu.memory_space<vmem>>)
      tpu.yield
    }) : () -> ()
    %run_scoped3A_2 = arith.constant 1 : i32
    %run_scoped3A_3 = arith.constant 1 : i32
    "tpu.region"() ({
      %run_scoped3A_30 = tpu.sem_alloc : memref<!tpu.dma_semaphore, #tpu.memory_space<semaphore_mem>>
      %dma_start3A = arith.constant 0 : i32
      %dma_start3A_31 = arith.constant 0 : i32
      %dma_start3A_32 = tpu.memref_slice %arg7[%run_scoped3A_3, %dma_start3A, %dma_start3A_31] : memref<2x79x128xi32, #tpu.memory_space<vmem>> -> memref<1x79x128xi32, #tpu.memory_space<vmem>>
      %dma_start3A_33 = tpu.memref_squeeze %dma_start3A_32 : memref<1x79x128xi32, #tpu.memory_space<vmem>> -> memref<79x128xi32, #tpu.memory_space<vmem>>
      %dma_start3A_34 = arith.constant 0 : i32
      %dma_start3A_35 = arith.constant 0 : i32
      %dma_start3A_36 = tpu.memref_slice %arg2[%run_scoped3A_2, %add3A, %dma_start3A_34, %dma_start3A_35] : memref<2x32x79x128xi32, #tpu.memory_space<hbm>> -> memref<1x1x79x128xi32, #tpu.memory_space<hbm>>
      %dma_start3A_37 = tpu.memref_squeeze %dma_start3A_36 : memref<1x1x79x128xi32, #tpu.memory_space<hbm>> -> memref<79x128xi32, #tpu.memory_space<hbm>>
      %dma_start3A_38 = arith.constant 0 : i32
      %dma_start3A_39 = arith.constant 0 : i32
      %dma_start3A_40 = tpu.memref_slice %arg7[%run_scoped3A_3, %dma_start3A_38, %dma_start3A_39] : memref<2x79x128xi32, #tpu.memory_space<vmem>> -> memref<1x79x128xi32, #tpu.memory_space<vmem>>
      %dma_start3A_41 = tpu.memref_squeeze %dma_start3A_40 : memref<1x79x128xi32, #tpu.memory_space<vmem>> -> memref<79x128xi32, #tpu.memory_space<vmem>>
      %dma_start3A_42 = arith.constant 0 : i32
      %dma_start3A_43 = arith.constant 0 : i32
      %dma_start3A_44 = tpu.memref_slice %arg2[%run_scoped3A_2, %add3A, %dma_start3A_42, %dma_start3A_43] : memref<2x32x79x128xi32, #tpu.memory_space<hbm>> -> memref<1x1x79x128xi32, #tpu.memory_space<hbm>>
      %dma_start3A_45 = tpu.memref_squeeze %dma_start3A_44 : memref<1x1x79x128xi32, #tpu.memory_space<hbm>> -> memref<79x128xi32, #tpu.memory_space<hbm>>
      tpu.enqueue_dma source(%dma_start3A_45 : memref<79x128xi32, #tpu.memory_space<hbm>>) target(%dma_start3A_41 : memref<79x128xi32, #tpu.memory_space<vmem>>) target_semaphore(%run_scoped3A_30 : memref<!tpu.dma_semaphore, #tpu.memory_space<semaphore_mem>>)
      %dma_wait3A = arith.constant 0 : i32
      %dma_wait3A_46 = arith.constant 0 : i32
      %dma_wait3A_47 = tpu.memref_slice %arg7[%run_scoped3A_3, %dma_wait3A, %dma_wait3A_46] : memref<2x79x128xi32, #tpu.memory_space<vmem>> -> memref<1x79x128xi32, #tpu.memory_space<vmem>>
      %dma_wait3A_48 = tpu.memref_squeeze %dma_wait3A_47 : memref<1x79x128xi32, #tpu.memory_space<vmem>> -> memref<79x128xi32, #tpu.memory_space<vmem>>
      %dma_wait3A_49 = arith.constant 0 : i32
      %dma_wait3A_50 = arith.constant 0 : i32
      %dma_wait3A_51 = tpu.memref_slice %arg2[%run_scoped3A_2, %add3A, %dma_wait3A_49, %dma_wait3A_50] : memref<2x32x79x128xi32, #tpu.memory_space<hbm>> -> memref<1x1x79x128xi32, #tpu.memory_space<hbm>>
      %dma_wait3A_52 = tpu.memref_squeeze %dma_wait3A_51 : memref<1x1x79x128xi32, #tpu.memory_space<hbm>> -> memref<79x128xi32, #tpu.memory_space<hbm>>
      %dma_wait3A_53 = arith.constant 0 : i32
      %dma_wait3A_54 = arith.constant 0 : i32
      %dma_wait3A_55 = tpu.memref_slice %arg7[%run_scoped3A_3, %dma_wait3A_53, %dma_wait3A_54] : memref<2x79x128xi32, #tpu.memory_space<vmem>> -> memref<1x79x128xi32, #tpu.memory_space<vmem>>
      %dma_wait3A_56 = tpu.memref_squeeze %dma_wait3A_55 : memref<1x79x128xi32, #tpu.memory_space<vmem>> -> memref<79x128xi32, #tpu.memory_space<vmem>>
      %dma_wait3A_57 = arith.constant 0 : i32
      %dma_wait3A_58 = arith.constant 0 : i32
      %dma_wait3A_59 = tpu.memref_slice %arg2[%run_scoped3A_2, %add3A, %dma_wait3A_57, %dma_wait3A_58] : memref<2x32x79x128xi32, #tpu.memory_space<hbm>> -> memref<1x1x79x128xi32, #tpu.memory_space<hbm>>
      %dma_wait3A_60 = tpu.memref_squeeze %dma_wait3A_59 : memref<1x1x79x128xi32, #tpu.memory_space<hbm>> -> memref<79x128xi32, #tpu.memory_space<hbm>>
      tpu.wait_dma2 semaphore(%run_scoped3A_30 : memref<!tpu.dma_semaphore, #tpu.memory_space<semaphore_mem>>) src(%dma_wait3A_60 : memref<79x128xi32, #tpu.memory_space<hbm>>) dst(%dma_wait3A_56 : memref<79x128xi32, #tpu.memory_space<vmem>>)
      tpu.yield
    }) : () -> ()
    "tpu.region"() ({
      %run_scoped3A_30 = tpu.sem_alloc : memref<!tpu.dma_semaphore, #tpu.memory_space<semaphore_mem>>
      tpu.enqueue_dma source(%arg3 : memref<128x128xf32, #tpu.memory_space<hbm>>) target(%arg8 : memref<128x128xf32, #tpu.memory_space<vmem>>) target_semaphore(%run_scoped3A_30 : memref<!tpu.dma_semaphore, #tpu.memory_space<semaphore_mem>>)
      tpu.wait_dma2 semaphore(%run_scoped3A_30 : memref<!tpu.dma_semaphore, #tpu.memory_space<semaphore_mem>>) src(%arg3 : memref<128x128xf32, #tpu.memory_space<hbm>>) dst(%arg8 : memref<128x128xf32, #tpu.memory_space<vmem>>)
      tpu.yield
    }) : () -> ()
    %mul3A_4 = arith.constant 640 : i32
    %mul3A_5 = arith.muli %arg1, %mul3A_4 : i32
    %scan3A = arith.constant 0 : i32
    %scan3A_6 = arith.constant 0 : i32
    %scan3A_7 = arith.constant 5 : i32
    %scan3A_8 = arith.addi %scan3A_6, %scan3A_7 : i32
    %scan3A_9 = arith.constant 1 : i32
    scf.for %scan3A_30 = %scan3A_6 to %scan3A_8 step %scan3A_9  : i32 {
      %mul3A_31 = arith.constant 128 : i32
      %mul3A_32 = arith.muli %scan3A_30, %mul3A_31 : i32
      %add3A_33 = arith.addi %mul3A_5, %mul3A_32 : i32
      "tpu.region"() ({
        %run_scoped3A_34 = tpu.sem_alloc : memref<!tpu.dma_semaphore, #tpu.memory_space<semaphore_mem>>
        %dma_start3A = arith.constant 0 : i32
        %dma_start3A_35 = tpu.memref_slice %arg9[%add3A_33, %dma_start3A] : memref<10240x128xf32, #tpu.memory_space<vmem_shared>> -> memref<128x128xf32, #tpu.memory_space<vmem_shared>>
        %dma_start3A_36 = arith.constant 0 : i32
        %dma_start3A_37 = tpu.memref_slice %arg9[%add3A_33, %dma_start3A_36] : memref<10240x128xf32, #tpu.memory_space<vmem_shared>> -> memref<128x128xf32, #tpu.memory_space<vmem_shared>>
        tpu.enqueue_dma source(%arg8 : memref<128x128xf32, #tpu.memory_space<vmem>>) target(%dma_start3A_37 : memref<128x128xf32, #tpu.memory_space<vmem_shared>>) target_semaphore(%run_scoped3A_34 : memref<!tpu.dma_semaphore, #tpu.memory_space<semaphore_mem>>)
        %dma_wait3A = arith.constant 0 : i32
        %dma_wait3A_38 = tpu.memref_slice %arg9[%add3A_33, %dma_wait3A] : memref<10240x128xf32, #tpu.memory_space<vmem_shared>> -> memref<128x128xf32, #tpu.memory_space<vmem_shared>>
        %dma_wait3A_39 = arith.constant 0 : i32
        %dma_wait3A_40 = tpu.memref_slice %arg9[%add3A_33, %dma_wait3A_39] : memref<10240x128xf32, #tpu.memory_space<vmem_shared>> -> memref<128x128xf32, #tpu.memory_space<vmem_shared>>
        tpu.wait_dma2 semaphore(%run_scoped3A_34 : memref<!tpu.dma_semaphore, #tpu.memory_space<semaphore_mem>>) src(%arg8 : memref<128x128xf32, #tpu.memory_space<vmem>>) dst(%dma_wait3A_40 : memref<128x128xf32, #tpu.memory_space<vmem_shared>>)
        tpu.yield
      }) : () -> ()
    }
    %scan3A_10 = arith.constant 5 : i32
    %barrier3A = arith.constant 0 : index
    tpu.barrier barrier_id(%barrier3A)
    "tpu.region"() ({
      %run_scoped3A_30 = tpu.sem_alloc : memref<!tpu.dma_semaphore, #tpu.memory_space<semaphore_mem>>
      tpu.enqueue_dma source(%arg4 : memref<128x128xf32, #tpu.memory_space<hbm>>) target(%arg8 : memref<128x128xf32, #tpu.memory_space<vmem>>) target_semaphore(%run_scoped3A_30 : memref<!tpu.dma_semaphore, #tpu.memory_space<semaphore_mem>>)
      tpu.wait_dma2 semaphore(%run_scoped3A_30 : memref<!tpu.dma_semaphore, #tpu.memory_space<semaphore_mem>>) src(%arg4 : memref<128x128xf32, #tpu.memory_space<hbm>>) dst(%arg8 : memref<128x128xf32, #tpu.memory_space<vmem>>)
      tpu.yield
    }) : () -> ()
    %scan3A_11 = arith.constant 0 : i32
    %scan3A_12 = arith.constant 0 : i32
    %scan3A_13 = arith.constant 79 : i32
    %scan3A_14 = arith.addi %scan3A_12, %scan3A_13 : i32
    %scan3A_15 = arith.constant 1 : i32
    scf.for %scan3A_30 = %scan3A_12 to %scan3A_14 step %scan3A_15  : i32 {
      %run_scoped3A_31 = arith.constant 0 : i32
      "tpu.region"() ({
        %run_scoped3A_32 = tpu.sem_alloc : memref<!tpu.dma_semaphore, #tpu.memory_space<semaphore_mem>>
        %dma_start3A = arith.constant 0 : i32
        %dma_start3A_33 = tpu.memref_slice %arg7[%run_scoped3A_31, %scan3A_30, %dma_start3A] : memref<2x79x128xi32, #tpu.memory_space<vmem>> -> memref<1x1x128xi32, #tpu.memory_space<vmem>>
        %dma_start3A_34 = tpu.memref_squeeze %dma_start3A_33 : memref<1x1x128xi32, #tpu.memory_space<vmem>> -> memref<128xi32, #tpu.memory_space<vmem>>
        %dma_start3A_35 = arith.constant 0 : i32
        %dma_start3A_36 = arith.constant 0 : i32
        %dma_start3A_37 = tpu.memref_slice %arg9[%dma_start3A_35, %dma_start3A_36] : memref<10240x128xf32, #tpu.memory_space<vmem_shared>> -> memref<10240x128xf32, #tpu.memory_space<vmem_shared>>
        tpu.enqueue_indirect_dma source(%arg8 : memref<128x128xf32, #tpu.memory_space<vmem>>) target(%dma_start3A_37 : memref<10240x128xf32, #tpu.memory_space<vmem_shared>>) offsets(%dma_start3A_34 : memref<128xi32, #tpu.memory_space<vmem>>) semaphore(%run_scoped3A_32 : memref<!tpu.dma_semaphore, #tpu.memory_space<semaphore_mem>>) {add = true}
        %dma_wait3A = arith.constant 0 : i32
        %dma_wait3A_38 = tpu.memref_slice %arg7[%run_scoped3A_31, %scan3A_30, %dma_wait3A] : memref<2x79x128xi32, #tpu.memory_space<vmem>> -> memref<1x1x128xi32, #tpu.memory_space<vmem>>
        %dma_wait3A_39 = tpu.memref_squeeze %dma_wait3A_38 : memref<1x1x128xi32, #tpu.memory_space<vmem>> -> memref<128xi32, #tpu.memory_space<vmem>>
        %dma_wait3A_40 = arith.constant 0 : i32
        %dma_wait3A_41 = arith.constant 0 : i32
        %dma_wait3A_42 = tpu.memref_slice %arg9[%dma_wait3A_40, %dma_wait3A_41] : memref<10240x128xf32, #tpu.memory_space<vmem_shared>> -> memref<10240x128xf32, #tpu.memory_space<vmem_shared>>
        tpu.wait_indirect_dma semaphore(%run_scoped3A_32 : memref<!tpu.dma_semaphore, #tpu.memory_space<semaphore_mem>>) src(%arg8 : memref<128x128xf32, #tpu.memory_space<vmem>>) dst(%dma_wait3A_42 : memref<10240x128xf32, #tpu.memory_space<vmem_shared>>)
        tpu.yield
      }) : () -> ()
    }
    %scan3A_16 = arith.constant 79 : i32
    "tpu.region"() ({
      %run_scoped3A_30 = tpu.sem_alloc : memref<!tpu.dma_semaphore, #tpu.memory_space<semaphore_mem>>
      tpu.enqueue_dma source(%arg5 : memref<128x128xf32, #tpu.memory_space<hbm>>) target(%arg8 : memref<128x128xf32, #tpu.memory_space<vmem>>) target_semaphore(%run_scoped3A_30 : memref<!tpu.dma_semaphore, #tpu.memory_space<semaphore_mem>>)
      tpu.wait_dma2 semaphore(%run_scoped3A_30 : memref<!tpu.dma_semaphore, #tpu.memory_space<semaphore_mem>>) src(%arg5 : memref<128x128xf32, #tpu.memory_space<hbm>>) dst(%arg8 : memref<128x128xf32, #tpu.memory_space<vmem>>)
      tpu.yield
    }) : () -> ()
    %scan3A_17 = arith.constant 0 : i32
    %scan3A_18 = arith.constant 0 : i32
    %scan3A_19 = arith.constant 79 : i32
    %scan3A_20 = arith.addi %scan3A_18, %scan3A_19 : i32
    %scan3A_21 = arith.constant 1 : i32
    scf.for %scan3A_30 = %scan3A_18 to %scan3A_20 step %scan3A_21  : i32 {
      %run_scoped3A_31 = arith.constant 1 : i32
      "tpu.region"() ({
        %run_scoped3A_32 = tpu.sem_alloc : memref<!tpu.dma_semaphore, #tpu.memory_space<semaphore_mem>>
        %dma_start3A = arith.constant 0 : i32
        %dma_start3A_33 = tpu.memref_slice %arg7[%run_scoped3A_31, %scan3A_30, %dma_start3A] : memref<2x79x128xi32, #tpu.memory_space<vmem>> -> memref<1x1x128xi32, #tpu.memory_space<vmem>>
        %dma_start3A_34 = tpu.memref_squeeze %dma_start3A_33 : memref<1x1x128xi32, #tpu.memory_space<vmem>> -> memref<128xi32, #tpu.memory_space<vmem>>
        %dma_start3A_35 = arith.constant 0 : i32
        %dma_start3A_36 = arith.constant 0 : i32
        %dma_start3A_37 = tpu.memref_slice %arg9[%dma_start3A_35, %dma_start3A_36] : memref<10240x128xf32, #tpu.memory_space<vmem_shared>> -> memref<10240x128xf32, #tpu.memory_space<vmem_shared>>
        tpu.enqueue_indirect_dma source(%arg8 : memref<128x128xf32, #tpu.memory_space<vmem>>) target(%dma_start3A_37 : memref<10240x128xf32, #tpu.memory_space<vmem_shared>>) offsets(%dma_start3A_34 : memref<128xi32, #tpu.memory_space<vmem>>) semaphore(%run_scoped3A_32 : memref<!tpu.dma_semaphore, #tpu.memory_space<semaphore_mem>>) {add = true}
        %dma_wait3A = arith.constant 0 : i32
        %dma_wait3A_38 = tpu.memref_slice %arg7[%run_scoped3A_31, %scan3A_30, %dma_wait3A] : memref<2x79x128xi32, #tpu.memory_space<vmem>> -> memref<1x1x128xi32, #tpu.memory_space<vmem>>
        %dma_wait3A_39 = tpu.memref_squeeze %dma_wait3A_38 : memref<1x1x128xi32, #tpu.memory_space<vmem>> -> memref<128xi32, #tpu.memory_space<vmem>>
        %dma_wait3A_40 = arith.constant 0 : i32
        %dma_wait3A_41 = arith.constant 0 : i32
        %dma_wait3A_42 = tpu.memref_slice %arg9[%dma_wait3A_40, %dma_wait3A_41] : memref<10240x128xf32, #tpu.memory_space<vmem_shared>> -> memref<10240x128xf32, #tpu.memory_space<vmem_shared>>
        tpu.wait_indirect_dma semaphore(%run_scoped3A_32 : memref<!tpu.dma_semaphore, #tpu.memory_space<semaphore_mem>>) src(%arg8 : memref<128x128xf32, #tpu.memory_space<vmem>>) dst(%dma_wait3A_42 : memref<10240x128xf32, #tpu.memory_space<vmem_shared>>)
        tpu.yield
      }) : () -> ()
    }
    %scan3A_22 = arith.constant 79 : i32
    %barrier3A_23 = arith.constant 0 : index
    tpu.barrier barrier_id(%barrier3A_23)
    %scan3A_24 = arith.constant 0 : i32
    %scan3A_25 = arith.constant 0 : i32
    %scan3A_26 = arith.constant 5 : i32
    %scan3A_27 = arith.addi %scan3A_25, %scan3A_26 : i32
    %scan3A_28 = arith.constant 1 : i32
    scf.for %scan3A_30 = %scan3A_25 to %scan3A_27 step %scan3A_28  : i32 {
      %mul3A_31 = arith.constant 128 : i32
      %mul3A_32 = arith.muli %scan3A_30, %mul3A_31 : i32
      %add3A_33 = arith.addi %mul3A_5, %mul3A_32 : i32
      "tpu.region"() ({
        %run_scoped3A_37 = tpu.sem_alloc : memref<!tpu.dma_semaphore, #tpu.memory_space<semaphore_mem>>
        %dma_start3A = arith.constant 0 : i32
        %dma_start3A_38 = tpu.memref_slice %arg9[%add3A_33, %dma_start3A] : memref<10240x128xf32, #tpu.memory_space<vmem_shared>> -> memref<128x128xf32, #tpu.memory_space<vmem_shared>>
        %dma_start3A_39 = arith.constant 0 : i32
        %dma_start3A_40 = tpu.memref_slice %arg9[%add3A_33, %dma_start3A_39] : memref<10240x128xf32, #tpu.memory_space<vmem_shared>> -> memref<128x128xf32, #tpu.memory_space<vmem_shared>>
        tpu.enqueue_dma source(%dma_start3A_40 : memref<128x128xf32, #tpu.memory_space<vmem_shared>>) target(%arg8 : memref<128x128xf32, #tpu.memory_space<vmem>>) target_semaphore(%run_scoped3A_37 : memref<!tpu.dma_semaphore, #tpu.memory_space<semaphore_mem>>)
        %dma_wait3A = arith.constant 0 : i32
        %dma_wait3A_41 = tpu.memref_slice %arg9[%add3A_33, %dma_wait3A] : memref<10240x128xf32, #tpu.memory_space<vmem_shared>> -> memref<128x128xf32, #tpu.memory_space<vmem_shared>>
        %dma_wait3A_42 = arith.constant 0 : i32
        %dma_wait3A_43 = tpu.memref_slice %arg9[%add3A_33, %dma_wait3A_42] : memref<10240x128xf32, #tpu.memory_space<vmem_shared>> -> memref<128x128xf32, #tpu.memory_space<vmem_shared>>
        tpu.wait_dma2 semaphore(%run_scoped3A_37 : memref<!tpu.dma_semaphore, #tpu.memory_space<semaphore_mem>>) src(%dma_wait3A_43 : memref<128x128xf32, #tpu.memory_space<vmem_shared>>) dst(%arg8 : memref<128x128xf32, #tpu.memory_space<vmem>>)
        tpu.yield
      }) : () -> ()
      %mul3A_34 = arith.constant 128 : i32
      %mul3A_35 = arith.muli %scan3A_30, %mul3A_34 : i32
      %add3A_36 = arith.addi %mul3A_5, %mul3A_35 : i32
      "tpu.region"() ({
        %run_scoped3A_37 = tpu.sem_alloc : memref<!tpu.dma_semaphore, #tpu.memory_space<semaphore_mem>>
        %dma_start3A = arith.constant 0 : i32
        %dma_start3A_38 = tpu.memref_slice %arg6[%arg0, %add3A_36, %dma_start3A] : memref<2x10240x128xf32, #tpu.memory_space<hbm>> -> memref<1x128x128xf32, #tpu.memory_space<hbm>>
        %dma_start3A_39 = tpu.memref_squeeze %dma_start3A_38 : memref<1x128x128xf32, #tpu.memory_space<hbm>> -> memref<128x128xf32, #tpu.memory_space<hbm>>
        %dma_start3A_40 = arith.constant 0 : i32
        %dma_start3A_41 = tpu.memref_slice %arg6[%arg0, %add3A_36, %dma_start3A_40] : memref<2x10240x128xf32, #tpu.memory_space<hbm>> -> memref<1x128x128xf32, #tpu.memory_space<hbm>>
        %dma_start3A_42 = tpu.memref_squeeze %dma_start3A_41 : memref<1x128x128xf32, #tpu.memory_space<hbm>> -> memref<128x128xf32, #tpu.memory_space<hbm>>
        tpu.enqueue_dma source(%arg8 : memref<128x128xf32, #tpu.memory_space<vmem>>) target(%dma_start3A_42 : memref<128x128xf32, #tpu.memory_space<hbm>>) target_semaphore(%run_scoped3A_37 : memref<!tpu.dma_semaphore, #tpu.memory_space<semaphore_mem>>)
        %dma_wait3A = arith.constant 0 : i32
        %dma_wait3A_43 = tpu.memref_slice %arg6[%arg0, %add3A_36, %dma_wait3A] : memref<2x10240x128xf32, #tpu.memory_space<hbm>> -> memref<1x128x128xf32, #tpu.memory_space<hbm>>
        %dma_wait3A_44 = tpu.memref_squeeze %dma_wait3A_43 : memref<1x128x128xf32, #tpu.memory_space<hbm>> -> memref<128x128xf32, #tpu.memory_space<hbm>>
        %dma_wait3A_45 = arith.constant 0 : i32
        %dma_wait3A_46 = tpu.memref_slice %arg6[%arg0, %add3A_36, %dma_wait3A_45] : memref<2x10240x128xf32, #tpu.memory_space<hbm>> -> memref<1x128x128xf32, #tpu.memory_space<hbm>>
        %dma_wait3A_47 = tpu.memref_squeeze %dma_wait3A_46 : memref<1x128x128xf32, #tpu.memory_space<hbm>> -> memref<128x128xf32, #tpu.memory_space<hbm>>
        tpu.wait_dma2 semaphore(%run_scoped3A_37 : memref<!tpu.dma_semaphore, #tpu.memory_space<semaphore_mem>>) src(%arg8 : memref<128x128xf32, #tpu.memory_space<vmem>>) dst(%dma_wait3A_47 : memref<128x128xf32, #tpu.memory_space<hbm>>)
        tpu.yield
      }) : () -> ()
    }
    %scan3A_29 = arith.constant 5 : i32
    return
  }
}

#map = affine_map<(d0, d1) -> (0, 0)>
#map1 = affine_map<(d0, d1) -> (0, 0, 0, 0)>
#map2 = affine_map<(d0, d1) -> (0, 0, 0)>
module attributes {stable_mosaic.version = 14 : i64} {
  func.func @spmm_k(%arg0: i32, %arg1: i32, %arg2: memref<10240x128xf32, #tpu.memory_space<hbm>>, %arg3: memref<2x32x79x128xi32, #tpu.memory_space<hbm>>, %arg4: memref<128x128xf32, #tpu.memory_space<hbm>>, %arg5: memref<2x10240x128xf32, #tpu.memory_space<hbm>>, %arg6: memref<79x128xi32, #tpu.memory_space<vmem>>, %arg7: memref<2x128xi32, #tpu.memory_space<vmem>>, %arg8: memref<2x128x128xf32, #tpu.memory_space<vmem>>, %arg9: memref<2x!tpu.dma_semaphore, #tpu.memory_space<semaphore_mem>>, %arg10: memref<2x!tpu.dma_semaphore, #tpu.memory_space<semaphore_mem>>, %arg11: memref<10240x128xf32, #tpu.memory_space<vmem_shared>>) attributes {dimension_semantics = [#tpu.dimension_semantics<core_parallel>, #tpu.dimension_semantics<subcore_parallel>], iteration_bounds = array<i64: 2, 16>, scalar_prefetch = 0 : i64, scratch_operands = 6 : i64, tpu.core_type = #tpu.core_type<sc_vector_subcore>, window_params = [{transform_indices = #map}, {transform_indices = #map1}, {transform_indices = #map}, {transform_indices = #map2}]} {
    %mul3A = arith.constant 2 : i32
    %mul3A_0 = arith.muli %arg1, %mul3A : i32
    %add3A = arith.addi %mul3A_0, %arg0 : i32
    %run_scoped3A = arith.constant 0 : i32
    "tpu.region"() ({
      %run_scoped3A_54 = tpu.sem_alloc : memref<!tpu.dma_semaphore, #tpu.memory_space<semaphore_mem>>
      %dma_start3A_55 = arith.constant 0 : i32
      %dma_start3A_56 = arith.constant 0 : i32
      %dma_start3A_57 = tpu.memref_slice %arg3[%run_scoped3A, %add3A, %dma_start3A_55, %dma_start3A_56] : memref<2x32x79x128xi32, #tpu.memory_space<hbm>> -> memref<1x1x79x128xi32, #tpu.memory_space<hbm>>
      %dma_start3A_58 = tpu.memref_squeeze %dma_start3A_57 : memref<1x1x79x128xi32, #tpu.memory_space<hbm>> -> memref<79x128xi32, #tpu.memory_space<hbm>>
      %dma_start3A_59 = arith.constant 0 : i32
      %dma_start3A_60 = arith.constant 0 : i32
      %dma_start3A_61 = tpu.memref_slice %arg3[%run_scoped3A, %add3A, %dma_start3A_59, %dma_start3A_60] : memref<2x32x79x128xi32, #tpu.memory_space<hbm>> -> memref<1x1x79x128xi32, #tpu.memory_space<hbm>>
      %dma_start3A_62 = tpu.memref_squeeze %dma_start3A_61 : memref<1x1x79x128xi32, #tpu.memory_space<hbm>> -> memref<79x128xi32, #tpu.memory_space<hbm>>
      tpu.enqueue_dma source(%dma_start3A_62 : memref<79x128xi32, #tpu.memory_space<hbm>>) target(%arg6 : memref<79x128xi32, #tpu.memory_space<vmem>>) target_semaphore(%run_scoped3A_54 : memref<!tpu.dma_semaphore, #tpu.memory_space<semaphore_mem>>)
      %dma_wait3A = arith.constant 0 : i32
      %dma_wait3A_63 = arith.constant 0 : i32
      %dma_wait3A_64 = tpu.memref_slice %arg3[%run_scoped3A, %add3A, %dma_wait3A, %dma_wait3A_63] : memref<2x32x79x128xi32, #tpu.memory_space<hbm>> -> memref<1x1x79x128xi32, #tpu.memory_space<hbm>>
      %dma_wait3A_65 = tpu.memref_squeeze %dma_wait3A_64 : memref<1x1x79x128xi32, #tpu.memory_space<hbm>> -> memref<79x128xi32, #tpu.memory_space<hbm>>
      %dma_wait3A_66 = arith.constant 0 : i32
      %dma_wait3A_67 = arith.constant 0 : i32
      %dma_wait3A_68 = tpu.memref_slice %arg3[%run_scoped3A, %add3A, %dma_wait3A_66, %dma_wait3A_67] : memref<2x32x79x128xi32, #tpu.memory_space<hbm>> -> memref<1x1x79x128xi32, #tpu.memory_space<hbm>>
      %dma_wait3A_69 = tpu.memref_squeeze %dma_wait3A_68 : memref<1x1x79x128xi32, #tpu.memory_space<hbm>> -> memref<79x128xi32, #tpu.memory_space<hbm>>
      tpu.wait_dma2 semaphore(%run_scoped3A_54 : memref<!tpu.dma_semaphore, #tpu.memory_space<semaphore_mem>>) src(%dma_wait3A_69 : memref<79x128xi32, #tpu.memory_space<hbm>>) dst(%arg6 : memref<79x128xi32, #tpu.memory_space<vmem>>)
      tpu.yield
    }) : () -> ()
    %run_scoped3A_1 = arith.constant 0 : i32
    "tpu.region"() ({
      %run_scoped3A_54 = tpu.sem_alloc : memref<!tpu.dma_semaphore, #tpu.memory_space<semaphore_mem>>
      %dma_start3A_55 = arith.constant 0 : i32
      %dma_start3A_56 = arith.constant 0 : i32
      %dma_start3A_57 = tpu.memref_slice %arg8[%run_scoped3A_1, %dma_start3A_55, %dma_start3A_56] : memref<2x128x128xf32, #tpu.memory_space<vmem>> -> memref<1x128x128xf32, #tpu.memory_space<vmem>>
      %dma_start3A_58 = tpu.memref_squeeze %dma_start3A_57 : memref<1x128x128xf32, #tpu.memory_space<vmem>> -> memref<128x128xf32, #tpu.memory_space<vmem>>
      %dma_start3A_59 = arith.constant 0 : i32
      %dma_start3A_60 = arith.constant 0 : i32
      %dma_start3A_61 = tpu.memref_slice %arg8[%run_scoped3A_1, %dma_start3A_59, %dma_start3A_60] : memref<2x128x128xf32, #tpu.memory_space<vmem>> -> memref<1x128x128xf32, #tpu.memory_space<vmem>>
      %dma_start3A_62 = tpu.memref_squeeze %dma_start3A_61 : memref<1x128x128xf32, #tpu.memory_space<vmem>> -> memref<128x128xf32, #tpu.memory_space<vmem>>
      tpu.enqueue_dma source(%arg4 : memref<128x128xf32, #tpu.memory_space<hbm>>) target(%dma_start3A_62 : memref<128x128xf32, #tpu.memory_space<vmem>>) target_semaphore(%run_scoped3A_54 : memref<!tpu.dma_semaphore, #tpu.memory_space<semaphore_mem>>)
      %dma_wait3A = arith.constant 0 : i32
      %dma_wait3A_63 = arith.constant 0 : i32
      %dma_wait3A_64 = tpu.memref_slice %arg8[%run_scoped3A_1, %dma_wait3A, %dma_wait3A_63] : memref<2x128x128xf32, #tpu.memory_space<vmem>> -> memref<1x128x128xf32, #tpu.memory_space<vmem>>
      %dma_wait3A_65 = tpu.memref_squeeze %dma_wait3A_64 : memref<1x128x128xf32, #tpu.memory_space<vmem>> -> memref<128x128xf32, #tpu.memory_space<vmem>>
      %dma_wait3A_66 = arith.constant 0 : i32
      %dma_wait3A_67 = arith.constant 0 : i32
      %dma_wait3A_68 = tpu.memref_slice %arg8[%run_scoped3A_1, %dma_wait3A_66, %dma_wait3A_67] : memref<2x128x128xf32, #tpu.memory_space<vmem>> -> memref<1x128x128xf32, #tpu.memory_space<vmem>>
      %dma_wait3A_69 = tpu.memref_squeeze %dma_wait3A_68 : memref<1x128x128xf32, #tpu.memory_space<vmem>> -> memref<128x128xf32, #tpu.memory_space<vmem>>
      tpu.wait_dma2 semaphore(%run_scoped3A_54 : memref<!tpu.dma_semaphore, #tpu.memory_space<semaphore_mem>>) src(%arg4 : memref<128x128xf32, #tpu.memory_space<hbm>>) dst(%dma_wait3A_69 : memref<128x128xf32, #tpu.memory_space<vmem>>)
      tpu.yield
    }) : () -> ()
    %mul3A_2 = arith.constant 640 : i32
    %mul3A_3 = arith.muli %arg1, %mul3A_2 : i32
    %scan3A = arith.constant 0 : i32
    %scan3A_4 = arith.constant 0 : i32
    %scan3A_5 = arith.constant 5 : i32
    %scan3A_6 = arith.addi %scan3A_4, %scan3A_5 : i32
    %scan3A_7 = arith.constant 1 : i32
    scf.for %scan3A_54 = %scan3A_4 to %scan3A_6 step %scan3A_7  : i32 {
      %mul3A_55 = arith.constant 128 : i32
      %mul3A_56 = arith.muli %scan3A_54, %mul3A_55 : i32
      %add3A_57 = arith.addi %mul3A_3, %mul3A_56 : i32
      %run_scoped3A_58 = arith.constant 0 : i32
      "tpu.region"() ({
        %run_scoped3A_59 = tpu.sem_alloc : memref<!tpu.dma_semaphore, #tpu.memory_space<semaphore_mem>>
        %dma_start3A_60 = arith.constant 0 : i32
        %dma_start3A_61 = arith.constant 0 : i32
        %dma_start3A_62 = tpu.memref_slice %arg8[%run_scoped3A_58, %dma_start3A_60, %dma_start3A_61] : memref<2x128x128xf32, #tpu.memory_space<vmem>> -> memref<1x128x128xf32, #tpu.memory_space<vmem>>
        %dma_start3A_63 = tpu.memref_squeeze %dma_start3A_62 : memref<1x128x128xf32, #tpu.memory_space<vmem>> -> memref<128x128xf32, #tpu.memory_space<vmem>>
        %dma_start3A_64 = arith.constant 0 : i32
        %dma_start3A_65 = tpu.memref_slice %arg11[%add3A_57, %dma_start3A_64] : memref<10240x128xf32, #tpu.memory_space<vmem_shared>> -> memref<128x128xf32, #tpu.memory_space<vmem_shared>>
        %dma_start3A_66 = arith.constant 0 : i32
        %dma_start3A_67 = tpu.memref_slice %arg11[%add3A_57, %dma_start3A_66] : memref<10240x128xf32, #tpu.memory_space<vmem_shared>> -> memref<128x128xf32, #tpu.memory_space<vmem_shared>>
        %dma_start3A_68 = arith.constant 0 : i32
        %dma_start3A_69 = arith.constant 0 : i32
        %dma_start3A_70 = tpu.memref_slice %arg8[%run_scoped3A_58, %dma_start3A_68, %dma_start3A_69] : memref<2x128x128xf32, #tpu.memory_space<vmem>> -> memref<1x128x128xf32, #tpu.memory_space<vmem>>
        %dma_start3A_71 = tpu.memref_squeeze %dma_start3A_70 : memref<1x128x128xf32, #tpu.memory_space<vmem>> -> memref<128x128xf32, #tpu.memory_space<vmem>>
        tpu.enqueue_dma source(%dma_start3A_71 : memref<128x128xf32, #tpu.memory_space<vmem>>) target(%dma_start3A_67 : memref<128x128xf32, #tpu.memory_space<vmem_shared>>) target_semaphore(%run_scoped3A_59 : memref<!tpu.dma_semaphore, #tpu.memory_space<semaphore_mem>>)
        %dma_wait3A = arith.constant 0 : i32
        %dma_wait3A_72 = arith.constant 0 : i32
        %dma_wait3A_73 = tpu.memref_slice %arg8[%run_scoped3A_58, %dma_wait3A, %dma_wait3A_72] : memref<2x128x128xf32, #tpu.memory_space<vmem>> -> memref<1x128x128xf32, #tpu.memory_space<vmem>>
        %dma_wait3A_74 = tpu.memref_squeeze %dma_wait3A_73 : memref<1x128x128xf32, #tpu.memory_space<vmem>> -> memref<128x128xf32, #tpu.memory_space<vmem>>
        %dma_wait3A_75 = arith.constant 0 : i32
        %dma_wait3A_76 = tpu.memref_slice %arg11[%add3A_57, %dma_wait3A_75] : memref<10240x128xf32, #tpu.memory_space<vmem_shared>> -> memref<128x128xf32, #tpu.memory_space<vmem_shared>>
        %dma_wait3A_77 = arith.constant 0 : i32
        %dma_wait3A_78 = tpu.memref_slice %arg11[%add3A_57, %dma_wait3A_77] : memref<10240x128xf32, #tpu.memory_space<vmem_shared>> -> memref<128x128xf32, #tpu.memory_space<vmem_shared>>
        %dma_wait3A_79 = arith.constant 0 : i32
        %dma_wait3A_80 = arith.constant 0 : i32
        %dma_wait3A_81 = tpu.memref_slice %arg8[%run_scoped3A_58, %dma_wait3A_79, %dma_wait3A_80] : memref<2x128x128xf32, #tpu.memory_space<vmem>> -> memref<1x128x128xf32, #tpu.memory_space<vmem>>
        %dma_wait3A_82 = tpu.memref_squeeze %dma_wait3A_81 : memref<1x128x128xf32, #tpu.memory_space<vmem>> -> memref<128x128xf32, #tpu.memory_space<vmem>>
        tpu.wait_dma2 semaphore(%run_scoped3A_59 : memref<!tpu.dma_semaphore, #tpu.memory_space<semaphore_mem>>) src(%dma_wait3A_82 : memref<128x128xf32, #tpu.memory_space<vmem>>) dst(%dma_wait3A_78 : memref<128x128xf32, #tpu.memory_space<vmem_shared>>)
        tpu.yield
      }) : () -> ()
    }
    %scan3A_8 = arith.constant 5 : i32
    %barrier3A = arith.constant 0 : index
    tpu.barrier barrier_id(%barrier3A)
    %dma_start3A = arith.constant 1 : i32
    %dma_start3A_9 = arith.constant 0 : i32
    %dma_start3A_10 = arith.constant 0 : i32
    %dma_start3A_11 = arith.constant 0 : i32
    %dma_start3A_12 = arith.constant 0 : i32
    %dma_start3A_13 = tpu.memref_slice %arg7[%dma_start3A_10, %dma_start3A_12] : memref<2x128xi32, #tpu.memory_space<vmem>> -> memref<1x128xi32, #tpu.memory_space<vmem>>
    %dma_start3A_14 = tpu.memref_squeeze %dma_start3A_13 : memref<1x128xi32, #tpu.memory_space<vmem>> -> memref<128xi32, #tpu.memory_space<vmem>>
    %dma_start3A_15 = arith.constant 0 : i32
    %dma_start3A_16 = tpu.memref_slice %arg3[%dma_start3A, %add3A, %dma_start3A_9, %dma_start3A_15] : memref<2x32x79x128xi32, #tpu.memory_space<hbm>> -> memref<1x1x1x128xi32, #tpu.memory_space<hbm>>
    %dma_start3A_17 = tpu.memref_squeeze %dma_start3A_16 : memref<1x1x1x128xi32, #tpu.memory_space<hbm>> -> memref<128xi32, #tpu.memory_space<hbm>>
    %dma_start3A_18 = tpu.memref_slice %arg10[%dma_start3A_11] : memref<2x!tpu.dma_semaphore, #tpu.memory_space<semaphore_mem>> -> memref<1x!tpu.dma_semaphore, #tpu.memory_space<semaphore_mem>>
    %dma_start3A_19 = tpu.memref_squeeze %dma_start3A_18 : memref<1x!tpu.dma_semaphore, #tpu.memory_space<semaphore_mem>> -> memref<!tpu.dma_semaphore, #tpu.memory_space<semaphore_mem>>
    %dma_start3A_20 = arith.constant 0 : i32
    %dma_start3A_21 = tpu.memref_slice %arg7[%dma_start3A_10, %dma_start3A_20] : memref<2x128xi32, #tpu.memory_space<vmem>> -> memref<1x128xi32, #tpu.memory_space<vmem>>
    %dma_start3A_22 = tpu.memref_squeeze %dma_start3A_21 : memref<1x128xi32, #tpu.memory_space<vmem>> -> memref<128xi32, #tpu.memory_space<vmem>>
    %dma_start3A_23 = arith.constant 0 : i32
    %dma_start3A_24 = tpu.memref_slice %arg3[%dma_start3A, %add3A, %dma_start3A_9, %dma_start3A_23] : memref<2x32x79x128xi32, #tpu.memory_space<hbm>> -> memref<1x1x1x128xi32, #tpu.memory_space<hbm>>
    %dma_start3A_25 = tpu.memref_squeeze %dma_start3A_24 : memref<1x1x1x128xi32, #tpu.memory_space<hbm>> -> memref<128xi32, #tpu.memory_space<hbm>>
    tpu.enqueue_dma source(%dma_start3A_25 : memref<128xi32, #tpu.memory_space<hbm>>) target(%dma_start3A_22 : memref<128xi32, #tpu.memory_space<vmem>>) target_semaphore(%dma_start3A_19 : memref<!tpu.dma_semaphore, #tpu.memory_space<semaphore_mem>>)
    %dma_start3A_26 = arith.constant 0 : i32
    %dma_start3A_27 = arith.constant 0 : i32
    %dma_start3A_28 = arith.constant 0 : i32
    %dma_start3A_29 = arith.constant 0 : i32
    %dma_start3A_30 = arith.constant 0 : i32
    %dma_start3A_31 = tpu.memref_slice %arg8[%dma_start3A_27, %dma_start3A_29, %dma_start3A_30] : memref<2x128x128xf32, #tpu.memory_space<vmem>> -> memref<1x128x128xf32, #tpu.memory_space<vmem>>
    %dma_start3A_32 = tpu.memref_squeeze %dma_start3A_31 : memref<1x128x128xf32, #tpu.memory_space<vmem>> -> memref<128x128xf32, #tpu.memory_space<vmem>>
    %dma_start3A_33 = arith.constant 0 : i32
    %dma_start3A_34 = tpu.memref_slice %arg6[%dma_start3A_26, %dma_start3A_33] : memref<79x128xi32, #tpu.memory_space<vmem>> -> memref<1x128xi32, #tpu.memory_space<vmem>>
    %dma_start3A_35 = tpu.memref_squeeze %dma_start3A_34 : memref<1x128xi32, #tpu.memory_space<vmem>> -> memref<128xi32, #tpu.memory_space<vmem>>
    %dma_start3A_36 = arith.constant 0 : i32
    %dma_start3A_37 = arith.constant 0 : i32
    %dma_start3A_38 = tpu.memref_slice %arg2[%dma_start3A_36, %dma_start3A_37] : memref<10240x128xf32, #tpu.memory_space<hbm>> -> memref<10240x128xf32, #tpu.memory_space<hbm>>
    %dma_start3A_39 = tpu.memref_slice %arg9[%dma_start3A_28] : memref<2x!tpu.dma_semaphore, #tpu.memory_space<semaphore_mem>> -> memref<1x!tpu.dma_semaphore, #tpu.memory_space<semaphore_mem>>
    %dma_start3A_40 = tpu.memref_squeeze %dma_start3A_39 : memref<1x!tpu.dma_semaphore, #tpu.memory_space<semaphore_mem>> -> memref<!tpu.dma_semaphore, #tpu.memory_space<semaphore_mem>>
    tpu.enqueue_indirect_dma source(%dma_start3A_38 : memref<10240x128xf32, #tpu.memory_space<hbm>>) target(%dma_start3A_32 : memref<128x128xf32, #tpu.memory_space<vmem>>) offsets(%dma_start3A_35 : memref<128xi32, #tpu.memory_space<vmem>>) semaphore(%dma_start3A_40 : memref<!tpu.dma_semaphore, #tpu.memory_space<semaphore_mem>>)
    %scan3A_41 = arith.constant 0 : i32
    %scan3A_42 = arith.constant 0 : i32
    %scan3A_43 = arith.constant 79 : i32
    %scan3A_44 = arith.addi %scan3A_42, %scan3A_43 : i32
    %scan3A_45 = arith.constant 1 : i32
    scf.for %scan3A_54 = %scan3A_42 to %scan3A_44 step %scan3A_45  : i32 {
      %rem3A = arith.constant 2 : i32
      %rem3A_55 = arith.remsi %scan3A_54, %rem3A : i32
      %add3A_56 = arith.constant 1 : i32
      %add3A_57 = arith.addi %scan3A_54, %add3A_56 : i32
      %rem3A_58 = arith.constant 2 : i32
      %rem3A_59 = arith.remsi %add3A_57, %rem3A_58 : i32
      %add3A_60 = arith.constant 1 : i32
      %add3A_61 = arith.addi %scan3A_54, %add3A_60 : i32
      %lt3A = arith.constant 79 : i32
      %lt3A_62 = arith.cmpi slt, %add3A_61, %lt3A : i32
      %convert_element_type3A = arith.extui %lt3A_62 : i1 to i32
      %cond3A = arith.constant 0 : i32
      %cond3A_63 = arith.cmpi ne, %convert_element_type3A, %cond3A : i32
      scf.if %cond3A_63 {
        %add3A_90 = arith.constant 1 : i32
        %add3A_91 = arith.addi %scan3A_54, %add3A_90 : i32
        %dma_start3A_92 = arith.constant 1 : i32
        %dma_start3A_93 = arith.constant 0 : i32
        %dma_start3A_94 = tpu.memref_slice %arg7[%rem3A_59, %dma_start3A_93] : memref<2x128xi32, #tpu.memory_space<vmem>> -> memref<1x128xi32, #tpu.memory_space<vmem>>
        %dma_start3A_95 = tpu.memref_squeeze %dma_start3A_94 : memref<1x128xi32, #tpu.memory_space<vmem>> -> memref<128xi32, #tpu.memory_space<vmem>>
        %dma_start3A_96 = arith.constant 0 : i32
        %dma_start3A_97 = tpu.memref_slice %arg3[%dma_start3A_92, %add3A, %add3A_91, %dma_start3A_96] : memref<2x32x79x128xi32, #tpu.memory_space<hbm>> -> memref<1x1x1x128xi32, #tpu.memory_space<hbm>>
        %dma_start3A_98 = tpu.memref_squeeze %dma_start3A_97 : memref<1x1x1x128xi32, #tpu.memory_space<hbm>> -> memref<128xi32, #tpu.memory_space<hbm>>
        %dma_start3A_99 = tpu.memref_slice %arg10[%rem3A_59] : memref<2x!tpu.dma_semaphore, #tpu.memory_space<semaphore_mem>> -> memref<1x!tpu.dma_semaphore, #tpu.memory_space<semaphore_mem>>
        %dma_start3A_100 = tpu.memref_squeeze %dma_start3A_99 : memref<1x!tpu.dma_semaphore, #tpu.memory_space<semaphore_mem>> -> memref<!tpu.dma_semaphore, #tpu.memory_space<semaphore_mem>>
        %dma_start3A_101 = arith.constant 0 : i32
        %dma_start3A_102 = tpu.memref_slice %arg7[%rem3A_59, %dma_start3A_101] : memref<2x128xi32, #tpu.memory_space<vmem>> -> memref<1x128xi32, #tpu.memory_space<vmem>>
        %dma_start3A_103 = tpu.memref_squeeze %dma_start3A_102 : memref<1x128xi32, #tpu.memory_space<vmem>> -> memref<128xi32, #tpu.memory_space<vmem>>
        %dma_start3A_104 = arith.constant 0 : i32
        %dma_start3A_105 = tpu.memref_slice %arg3[%dma_start3A_92, %add3A, %add3A_91, %dma_start3A_104] : memref<2x32x79x128xi32, #tpu.memory_space<hbm>> -> memref<1x1x1x128xi32, #tpu.memory_space<hbm>>
        %dma_start3A_106 = tpu.memref_squeeze %dma_start3A_105 : memref<1x1x1x128xi32, #tpu.memory_space<hbm>> -> memref<128xi32, #tpu.memory_space<hbm>>
        tpu.enqueue_dma source(%dma_start3A_106 : memref<128xi32, #tpu.memory_space<hbm>>) target(%dma_start3A_103 : memref<128xi32, #tpu.memory_space<vmem>>) target_semaphore(%dma_start3A_100 : memref<!tpu.dma_semaphore, #tpu.memory_space<semaphore_mem>>)
        %add3A_107 = arith.constant 1 : i32
        %add3A_108 = arith.addi %scan3A_54, %add3A_107 : i32
        %dma_start3A_109 = arith.constant 0 : i32
        %dma_start3A_110 = arith.constant 0 : i32
        %dma_start3A_111 = tpu.memref_slice %arg8[%rem3A_59, %dma_start3A_109, %dma_start3A_110] : memref<2x128x128xf32, #tpu.memory_space<vmem>> -> memref<1x128x128xf32, #tpu.memory_space<vmem>>
        %dma_start3A_112 = tpu.memref_squeeze %dma_start3A_111 : memref<1x128x128xf32, #tpu.memory_space<vmem>> -> memref<128x128xf32, #tpu.memory_space<vmem>>
        %dma_start3A_113 = arith.constant 0 : i32
        %dma_start3A_114 = tpu.memref_slice %arg6[%add3A_108, %dma_start3A_113] : memref<79x128xi32, #tpu.memory_space<vmem>> -> memref<1x128xi32, #tpu.memory_space<vmem>>
        %dma_start3A_115 = tpu.memref_squeeze %dma_start3A_114 : memref<1x128xi32, #tpu.memory_space<vmem>> -> memref<128xi32, #tpu.memory_space<vmem>>
        %dma_start3A_116 = arith.constant 0 : i32
        %dma_start3A_117 = arith.constant 0 : i32
        %dma_start3A_118 = tpu.memref_slice %arg2[%dma_start3A_116, %dma_start3A_117] : memref<10240x128xf32, #tpu.memory_space<hbm>> -> memref<10240x128xf32, #tpu.memory_space<hbm>>
        %dma_start3A_119 = tpu.memref_slice %arg9[%rem3A_59] : memref<2x!tpu.dma_semaphore, #tpu.memory_space<semaphore_mem>> -> memref<1x!tpu.dma_semaphore, #tpu.memory_space<semaphore_mem>>
        %dma_start3A_120 = tpu.memref_squeeze %dma_start3A_119 : memref<1x!tpu.dma_semaphore, #tpu.memory_space<semaphore_mem>> -> memref<!tpu.dma_semaphore, #tpu.memory_space<semaphore_mem>>
        tpu.enqueue_indirect_dma source(%dma_start3A_118 : memref<10240x128xf32, #tpu.memory_space<hbm>>) target(%dma_start3A_112 : memref<128x128xf32, #tpu.memory_space<vmem>>) offsets(%dma_start3A_115 : memref<128xi32, #tpu.memory_space<vmem>>) semaphore(%dma_start3A_120 : memref<!tpu.dma_semaphore, #tpu.memory_space<semaphore_mem>>)
      } else {
      }
      %dma_wait3A = arith.constant 0 : i32
      %dma_wait3A_64 = arith.constant 0 : i32
      %dma_wait3A_65 = tpu.memref_slice %arg8[%rem3A_55, %dma_wait3A, %dma_wait3A_64] : memref<2x128x128xf32, #tpu.memory_space<vmem>> -> memref<1x128x128xf32, #tpu.memory_space<vmem>>
      %dma_wait3A_66 = tpu.memref_squeeze %dma_wait3A_65 : memref<1x128x128xf32, #tpu.memory_space<vmem>> -> memref<128x128xf32, #tpu.memory_space<vmem>>
      %dma_wait3A_67 = arith.constant 0 : i32
      %dma_wait3A_68 = tpu.memref_slice %arg6[%scan3A_54, %dma_wait3A_67] : memref<79x128xi32, #tpu.memory_space<vmem>> -> memref<1x128xi32, #tpu.memory_space<vmem>>
      %dma_wait3A_69 = tpu.memref_squeeze %dma_wait3A_68 : memref<1x128xi32, #tpu.memory_space<vmem>> -> memref<128xi32, #tpu.memory_space<vmem>>
      %dma_wait3A_70 = arith.constant 0 : i32
      %dma_wait3A_71 = arith.constant 0 : i32
      %dma_wait3A_72 = tpu.memref_slice %arg2[%dma_wait3A_70, %dma_wait3A_71] : memref<10240x128xf32, #tpu.memory_space<hbm>> -> memref<10240x128xf32, #tpu.memory_space<hbm>>
      %dma_wait3A_73 = tpu.memref_slice %arg9[%rem3A_55] : memref<2x!tpu.dma_semaphore, #tpu.memory_space<semaphore_mem>> -> memref<1x!tpu.dma_semaphore, #tpu.memory_space<semaphore_mem>>
      %dma_wait3A_74 = tpu.memref_squeeze %dma_wait3A_73 : memref<1x!tpu.dma_semaphore, #tpu.memory_space<semaphore_mem>> -> memref<!tpu.dma_semaphore, #tpu.memory_space<semaphore_mem>>
      tpu.wait_indirect_dma semaphore(%dma_wait3A_74 : memref<!tpu.dma_semaphore, #tpu.memory_space<semaphore_mem>>) src(%dma_wait3A_72 : memref<10240x128xf32, #tpu.memory_space<hbm>>) dst(%dma_wait3A_66 : memref<128x128xf32, #tpu.memory_space<vmem>>)
      %dma_wait3A_75 = arith.constant 1 : i32
      %dma_wait3A_76 = arith.constant 0 : i32
      %dma_wait3A_77 = tpu.memref_slice %arg7[%rem3A_55, %dma_wait3A_76] : memref<2x128xi32, #tpu.memory_space<vmem>> -> memref<1x128xi32, #tpu.memory_space<vmem>>
      %dma_wait3A_78 = tpu.memref_squeeze %dma_wait3A_77 : memref<1x128xi32, #tpu.memory_space<vmem>> -> memref<128xi32, #tpu.memory_space<vmem>>
      %dma_wait3A_79 = arith.constant 0 : i32
      %dma_wait3A_80 = tpu.memref_slice %arg3[%dma_wait3A_75, %add3A, %scan3A_54, %dma_wait3A_79] : memref<2x32x79x128xi32, #tpu.memory_space<hbm>> -> memref<1x1x1x128xi32, #tpu.memory_space<hbm>>
      %dma_wait3A_81 = tpu.memref_squeeze %dma_wait3A_80 : memref<1x1x1x128xi32, #tpu.memory_space<hbm>> -> memref<128xi32, #tpu.memory_space<hbm>>
      %dma_wait3A_82 = tpu.memref_slice %arg10[%rem3A_55] : memref<2x!tpu.dma_semaphore, #tpu.memory_space<semaphore_mem>> -> memref<1x!tpu.dma_semaphore, #tpu.memory_space<semaphore_mem>>
      %dma_wait3A_83 = tpu.memref_squeeze %dma_wait3A_82 : memref<1x!tpu.dma_semaphore, #tpu.memory_space<semaphore_mem>> -> memref<!tpu.dma_semaphore, #tpu.memory_space<semaphore_mem>>
      %dma_wait3A_84 = arith.constant 0 : i32
      %dma_wait3A_85 = tpu.memref_slice %arg7[%rem3A_55, %dma_wait3A_84] : memref<2x128xi32, #tpu.memory_space<vmem>> -> memref<1x128xi32, #tpu.memory_space<vmem>>
      %dma_wait3A_86 = tpu.memref_squeeze %dma_wait3A_85 : memref<1x128xi32, #tpu.memory_space<vmem>> -> memref<128xi32, #tpu.memory_space<vmem>>
      %dma_wait3A_87 = arith.constant 0 : i32
      %dma_wait3A_88 = tpu.memref_slice %arg3[%dma_wait3A_75, %add3A, %scan3A_54, %dma_wait3A_87] : memref<2x32x79x128xi32, #tpu.memory_space<hbm>> -> memref<1x1x1x128xi32, #tpu.memory_space<hbm>>
      %dma_wait3A_89 = tpu.memref_squeeze %dma_wait3A_88 : memref<1x1x1x128xi32, #tpu.memory_space<hbm>> -> memref<128xi32, #tpu.memory_space<hbm>>
      tpu.wait_dma2 semaphore(%dma_wait3A_83 : memref<!tpu.dma_semaphore, #tpu.memory_space<semaphore_mem>>) src(%dma_wait3A_89 : memref<128xi32, #tpu.memory_space<hbm>>) dst(%dma_wait3A_86 : memref<128xi32, #tpu.memory_space<vmem>>)
      "tpu.region"() ({
        %run_scoped3A_90 = tpu.sem_alloc : memref<!tpu.dma_semaphore, #tpu.memory_space<semaphore_mem>>
        %dma_start3A_91 = arith.constant 0 : i32
        %dma_start3A_92 = arith.constant 0 : i32
        %dma_start3A_93 = tpu.memref_slice %arg8[%rem3A_55, %dma_start3A_91, %dma_start3A_92] : memref<2x128x128xf32, #tpu.memory_space<vmem>> -> memref<1x128x128xf32, #tpu.memory_space<vmem>>
        %dma_start3A_94 = tpu.memref_squeeze %dma_start3A_93 : memref<1x128x128xf32, #tpu.memory_space<vmem>> -> memref<128x128xf32, #tpu.memory_space<vmem>>
        %dma_start3A_95 = arith.constant 0 : i32
        %dma_start3A_96 = tpu.memref_slice %arg7[%rem3A_55, %dma_start3A_95] : memref<2x128xi32, #tpu.memory_space<vmem>> -> memref<1x128xi32, #tpu.memory_space<vmem>>
        %dma_start3A_97 = tpu.memref_squeeze %dma_start3A_96 : memref<1x128xi32, #tpu.memory_space<vmem>> -> memref<128xi32, #tpu.memory_space<vmem>>
        %dma_start3A_98 = arith.constant 0 : i32
        %dma_start3A_99 = arith.constant 0 : i32
        %dma_start3A_100 = tpu.memref_slice %arg11[%dma_start3A_98, %dma_start3A_99] : memref<10240x128xf32, #tpu.memory_space<vmem_shared>> -> memref<10240x128xf32, #tpu.memory_space<vmem_shared>>
        tpu.enqueue_indirect_dma source(%dma_start3A_94 : memref<128x128xf32, #tpu.memory_space<vmem>>) target(%dma_start3A_100 : memref<10240x128xf32, #tpu.memory_space<vmem_shared>>) offsets(%dma_start3A_97 : memref<128xi32, #tpu.memory_space<vmem>>) semaphore(%run_scoped3A_90 : memref<!tpu.dma_semaphore, #tpu.memory_space<semaphore_mem>>) {add = true}
        %dma_wait3A_101 = arith.constant 0 : i32
        %dma_wait3A_102 = arith.constant 0 : i32
        %dma_wait3A_103 = tpu.memref_slice %arg8[%rem3A_55, %dma_wait3A_101, %dma_wait3A_102] : memref<2x128x128xf32, #tpu.memory_space<vmem>> -> memref<1x128x128xf32, #tpu.memory_space<vmem>>
        %dma_wait3A_104 = tpu.memref_squeeze %dma_wait3A_103 : memref<1x128x128xf32, #tpu.memory_space<vmem>> -> memref<128x128xf32, #tpu.memory_space<vmem>>
        %dma_wait3A_105 = arith.constant 0 : i32
        %dma_wait3A_106 = tpu.memref_slice %arg7[%rem3A_55, %dma_wait3A_105] : memref<2x128xi32, #tpu.memory_space<vmem>> -> memref<1x128xi32, #tpu.memory_space<vmem>>
        %dma_wait3A_107 = tpu.memref_squeeze %dma_wait3A_106 : memref<1x128xi32, #tpu.memory_space<vmem>> -> memref<128xi32, #tpu.memory_space<vmem>>
        %dma_wait3A_108 = arith.constant 0 : i32
        %dma_wait3A_109 = arith.constant 0 : i32
        %dma_wait3A_110 = tpu.memref_slice %arg11[%dma_wait3A_108, %dma_wait3A_109] : memref<10240x128xf32, #tpu.memory_space<vmem_shared>> -> memref<10240x128xf32, #tpu.memory_space<vmem_shared>>
        tpu.wait_indirect_dma semaphore(%run_scoped3A_90 : memref<!tpu.dma_semaphore, #tpu.memory_space<semaphore_mem>>) src(%dma_wait3A_104 : memref<128x128xf32, #tpu.memory_space<vmem>>) dst(%dma_wait3A_110 : memref<10240x128xf32, #tpu.memory_space<vmem_shared>>)
        tpu.yield
      }) : () -> ()
    }
    %scan3A_46 = arith.constant 79 : i32
    %barrier3A_47 = arith.constant 0 : index
    tpu.barrier barrier_id(%barrier3A_47)
    %scan3A_48 = arith.constant 0 : i32
    %scan3A_49 = arith.constant 0 : i32
    %scan3A_50 = arith.constant 5 : i32
    %scan3A_51 = arith.addi %scan3A_49, %scan3A_50 : i32
    %scan3A_52 = arith.constant 1 : i32
    scf.for %scan3A_54 = %scan3A_49 to %scan3A_51 step %scan3A_52  : i32 {
      %mul3A_55 = arith.constant 128 : i32
      %mul3A_56 = arith.muli %scan3A_54, %mul3A_55 : i32
      %add3A_57 = arith.addi %mul3A_3, %mul3A_56 : i32
      %run_scoped3A_58 = arith.constant 0 : i32
      "tpu.region"() ({
        %run_scoped3A_63 = tpu.sem_alloc : memref<!tpu.dma_semaphore, #tpu.memory_space<semaphore_mem>>
        %dma_start3A_64 = arith.constant 0 : i32
        %dma_start3A_65 = arith.constant 0 : i32
        %dma_start3A_66 = tpu.memref_slice %arg8[%run_scoped3A_58, %dma_start3A_64, %dma_start3A_65] : memref<2x128x128xf32, #tpu.memory_space<vmem>> -> memref<1x128x128xf32, #tpu.memory_space<vmem>>
        %dma_start3A_67 = tpu.memref_squeeze %dma_start3A_66 : memref<1x128x128xf32, #tpu.memory_space<vmem>> -> memref<128x128xf32, #tpu.memory_space<vmem>>
        %dma_start3A_68 = arith.constant 0 : i32
        %dma_start3A_69 = tpu.memref_slice %arg11[%add3A_57, %dma_start3A_68] : memref<10240x128xf32, #tpu.memory_space<vmem_shared>> -> memref<128x128xf32, #tpu.memory_space<vmem_shared>>
        %dma_start3A_70 = arith.constant 0 : i32
        %dma_start3A_71 = arith.constant 0 : i32
        %dma_start3A_72 = tpu.memref_slice %arg8[%run_scoped3A_58, %dma_start3A_70, %dma_start3A_71] : memref<2x128x128xf32, #tpu.memory_space<vmem>> -> memref<1x128x128xf32, #tpu.memory_space<vmem>>
        %dma_start3A_73 = tpu.memref_squeeze %dma_start3A_72 : memref<1x128x128xf32, #tpu.memory_space<vmem>> -> memref<128x128xf32, #tpu.memory_space<vmem>>
        %dma_start3A_74 = arith.constant 0 : i32
        %dma_start3A_75 = tpu.memref_slice %arg11[%add3A_57, %dma_start3A_74] : memref<10240x128xf32, #tpu.memory_space<vmem_shared>> -> memref<128x128xf32, #tpu.memory_space<vmem_shared>>
        tpu.enqueue_dma source(%dma_start3A_75 : memref<128x128xf32, #tpu.memory_space<vmem_shared>>) target(%dma_start3A_73 : memref<128x128xf32, #tpu.memory_space<vmem>>) target_semaphore(%run_scoped3A_63 : memref<!tpu.dma_semaphore, #tpu.memory_space<semaphore_mem>>)
        %dma_wait3A = arith.constant 0 : i32
        %dma_wait3A_76 = arith.constant 0 : i32
        %dma_wait3A_77 = tpu.memref_slice %arg8[%run_scoped3A_58, %dma_wait3A, %dma_wait3A_76] : memref<2x128x128xf32, #tpu.memory_space<vmem>> -> memref<1x128x128xf32, #tpu.memory_space<vmem>>
        %dma_wait3A_78 = tpu.memref_squeeze %dma_wait3A_77 : memref<1x128x128xf32, #tpu.memory_space<vmem>> -> memref<128x128xf32, #tpu.memory_space<vmem>>
        %dma_wait3A_79 = arith.constant 0 : i32
        %dma_wait3A_80 = tpu.memref_slice %arg11[%add3A_57, %dma_wait3A_79] : memref<10240x128xf32, #tpu.memory_space<vmem_shared>> -> memref<128x128xf32, #tpu.memory_space<vmem_shared>>
        %dma_wait3A_81 = arith.constant 0 : i32
        %dma_wait3A_82 = arith.constant 0 : i32
        %dma_wait3A_83 = tpu.memref_slice %arg8[%run_scoped3A_58, %dma_wait3A_81, %dma_wait3A_82] : memref<2x128x128xf32, #tpu.memory_space<vmem>> -> memref<1x128x128xf32, #tpu.memory_space<vmem>>
        %dma_wait3A_84 = tpu.memref_squeeze %dma_wait3A_83 : memref<1x128x128xf32, #tpu.memory_space<vmem>> -> memref<128x128xf32, #tpu.memory_space<vmem>>
        %dma_wait3A_85 = arith.constant 0 : i32
        %dma_wait3A_86 = tpu.memref_slice %arg11[%add3A_57, %dma_wait3A_85] : memref<10240x128xf32, #tpu.memory_space<vmem_shared>> -> memref<128x128xf32, #tpu.memory_space<vmem_shared>>
        tpu.wait_dma2 semaphore(%run_scoped3A_63 : memref<!tpu.dma_semaphore, #tpu.memory_space<semaphore_mem>>) src(%dma_wait3A_86 : memref<128x128xf32, #tpu.memory_space<vmem_shared>>) dst(%dma_wait3A_84 : memref<128x128xf32, #tpu.memory_space<vmem>>)
        tpu.yield
      }) : () -> ()
      %mul3A_59 = arith.constant 128 : i32
      %mul3A_60 = arith.muli %scan3A_54, %mul3A_59 : i32
      %add3A_61 = arith.addi %mul3A_3, %mul3A_60 : i32
      %run_scoped3A_62 = arith.constant 0 : i32
      "tpu.region"() ({
        %run_scoped3A_63 = tpu.sem_alloc : memref<!tpu.dma_semaphore, #tpu.memory_space<semaphore_mem>>
        %dma_start3A_64 = arith.constant 0 : i32
        %dma_start3A_65 = arith.constant 0 : i32
        %dma_start3A_66 = tpu.memref_slice %arg8[%run_scoped3A_62, %dma_start3A_64, %dma_start3A_65] : memref<2x128x128xf32, #tpu.memory_space<vmem>> -> memref<1x128x128xf32, #tpu.memory_space<vmem>>
        %dma_start3A_67 = tpu.memref_squeeze %dma_start3A_66 : memref<1x128x128xf32, #tpu.memory_space<vmem>> -> memref<128x128xf32, #tpu.memory_space<vmem>>
        %dma_start3A_68 = arith.constant 0 : i32
        %dma_start3A_69 = tpu.memref_slice %arg5[%arg0, %add3A_61, %dma_start3A_68] : memref<2x10240x128xf32, #tpu.memory_space<hbm>> -> memref<1x128x128xf32, #tpu.memory_space<hbm>>
        %dma_start3A_70 = tpu.memref_squeeze %dma_start3A_69 : memref<1x128x128xf32, #tpu.memory_space<hbm>> -> memref<128x128xf32, #tpu.memory_space<hbm>>
        %dma_start3A_71 = arith.constant 0 : i32
        %dma_start3A_72 = tpu.memref_slice %arg5[%arg0, %add3A_61, %dma_start3A_71] : memref<2x10240x128xf32, #tpu.memory_space<hbm>> -> memref<1x128x128xf32, #tpu.memory_space<hbm>>
        %dma_start3A_73 = tpu.memref_squeeze %dma_start3A_72 : memref<1x128x128xf32, #tpu.memory_space<hbm>> -> memref<128x128xf32, #tpu.memory_space<hbm>>
        %dma_start3A_74 = arith.constant 0 : i32
        %dma_start3A_75 = arith.constant 0 : i32
        %dma_start3A_76 = tpu.memref_slice %arg8[%run_scoped3A_62, %dma_start3A_74, %dma_start3A_75] : memref<2x128x128xf32, #tpu.memory_space<vmem>> -> memref<1x128x128xf32, #tpu.memory_space<vmem>>
        %dma_start3A_77 = tpu.memref_squeeze %dma_start3A_76 : memref<1x128x128xf32, #tpu.memory_space<vmem>> -> memref<128x128xf32, #tpu.memory_space<vmem>>
        tpu.enqueue_dma source(%dma_start3A_77 : memref<128x128xf32, #tpu.memory_space<vmem>>) target(%dma_start3A_73 : memref<128x128xf32, #tpu.memory_space<hbm>>) target_semaphore(%run_scoped3A_63 : memref<!tpu.dma_semaphore, #tpu.memory_space<semaphore_mem>>)
        %dma_wait3A = arith.constant 0 : i32
        %dma_wait3A_78 = arith.constant 0 : i32
        %dma_wait3A_79 = tpu.memref_slice %arg8[%run_scoped3A_62, %dma_wait3A, %dma_wait3A_78] : memref<2x128x128xf32, #tpu.memory_space<vmem>> -> memref<1x128x128xf32, #tpu.memory_space<vmem>>
        %dma_wait3A_80 = tpu.memref_squeeze %dma_wait3A_79 : memref<1x128x128xf32, #tpu.memory_space<vmem>> -> memref<128x128xf32, #tpu.memory_space<vmem>>
        %dma_wait3A_81 = arith.constant 0 : i32
        %dma_wait3A_82 = tpu.memref_slice %arg5[%arg0, %add3A_61, %dma_wait3A_81] : memref<2x10240x128xf32, #tpu.memory_space<hbm>> -> memref<1x128x128xf32, #tpu.memory_space<hbm>>
        %dma_wait3A_83 = tpu.memref_squeeze %dma_wait3A_82 : memref<1x128x128xf32, #tpu.memory_space<hbm>> -> memref<128x128xf32, #tpu.memory_space<hbm>>
        %dma_wait3A_84 = arith.constant 0 : i32
        %dma_wait3A_85 = tpu.memref_slice %arg5[%arg0, %add3A_61, %dma_wait3A_84] : memref<2x10240x128xf32, #tpu.memory_space<hbm>> -> memref<1x128x128xf32, #tpu.memory_space<hbm>>
        %dma_wait3A_86 = tpu.memref_squeeze %dma_wait3A_85 : memref<1x128x128xf32, #tpu.memory_space<hbm>> -> memref<128x128xf32, #tpu.memory_space<hbm>>
        %dma_wait3A_87 = arith.constant 0 : i32
        %dma_wait3A_88 = arith.constant 0 : i32
        %dma_wait3A_89 = tpu.memref_slice %arg8[%run_scoped3A_62, %dma_wait3A_87, %dma_wait3A_88] : memref<2x128x128xf32, #tpu.memory_space<vmem>> -> memref<1x128x128xf32, #tpu.memory_space<vmem>>
        %dma_wait3A_90 = tpu.memref_squeeze %dma_wait3A_89 : memref<1x128x128xf32, #tpu.memory_space<vmem>> -> memref<128x128xf32, #tpu.memory_space<vmem>>
        tpu.wait_dma2 semaphore(%run_scoped3A_63 : memref<!tpu.dma_semaphore, #tpu.memory_space<semaphore_mem>>) src(%dma_wait3A_90 : memref<128x128xf32, #tpu.memory_space<vmem>>) dst(%dma_wait3A_86 : memref<128x128xf32, #tpu.memory_space<hbm>>)
        tpu.yield
      }) : () -> ()
    }
    %scan3A_53 = arith.constant 5 : i32
    return
  }
}

#map = affine_map<(d0, d1) -> (0, 0)>
#map1 = affine_map<(d0, d1) -> (0, 0, 0, 0)>
#map2 = affine_map<(d0, d1) -> (0, 0, 0)>
module attributes {stable_mosaic.version = 14 : i64} {
  func.func @spmm_k(%arg0: i32, %arg1: i32, %arg2: memref<10240x128xf32, #tpu.memory_space<hbm>>, %arg3: memref<2x32x79x128xi32, #tpu.memory_space<hbm>>, %arg4: memref<128x128xf32, #tpu.memory_space<hbm>>, %arg5: memref<2x10240x128xf32, #tpu.memory_space<hbm>>, %arg6: memref<79x128xi32, #tpu.memory_space<vmem>>, %arg7: memref<2x128xi32, #tpu.memory_space<vmem>>, %arg8: memref<2x128x128xf32, #tpu.memory_space<vmem>>, %arg9: memref<2x!tpu.dma_semaphore, #tpu.memory_space<semaphore_mem>>, %arg10: memref<2x!tpu.dma_semaphore, #tpu.memory_space<semaphore_mem>>, %arg11: memref<10240x128xf32, #tpu.memory_space<vmem_shared>>) attributes {dimension_semantics = [#tpu.dimension_semantics<core_parallel>, #tpu.dimension_semantics<subcore_parallel>], iteration_bounds = array<i64: 2, 16>, scalar_prefetch = 0 : i64, scratch_operands = 6 : i64, tpu.core_type = #tpu.core_type<sc_vector_subcore>, window_params = [{transform_indices = #map}, {transform_indices = #map1}, {transform_indices = #map}, {transform_indices = #map2}]} {
    %mul3A = arith.constant 2 : i32
    %mul3A_0 = arith.muli %arg1, %mul3A : i32
    %add3A = arith.addi %mul3A_0, %arg0 : i32
    %run_scoped3A = arith.constant 0 : i32
    "tpu.region"() ({
      %run_scoped3A_54 = tpu.sem_alloc : memref<!tpu.dma_semaphore, #tpu.memory_space<semaphore_mem>>
      %dma_start3A_55 = arith.constant 0 : i32
      %dma_start3A_56 = arith.constant 0 : i32
      %dma_start3A_57 = tpu.memref_slice %arg3[%run_scoped3A, %add3A, %dma_start3A_55, %dma_start3A_56] : memref<2x32x79x128xi32, #tpu.memory_space<hbm>> -> memref<1x1x79x128xi32, #tpu.memory_space<hbm>>
      %dma_start3A_58 = tpu.memref_squeeze %dma_start3A_57 : memref<1x1x79x128xi32, #tpu.memory_space<hbm>> -> memref<79x128xi32, #tpu.memory_space<hbm>>
      %dma_start3A_59 = arith.constant 0 : i32
      %dma_start3A_60 = arith.constant 0 : i32
      %dma_start3A_61 = tpu.memref_slice %arg3[%run_scoped3A, %add3A, %dma_start3A_59, %dma_start3A_60] : memref<2x32x79x128xi32, #tpu.memory_space<hbm>> -> memref<1x1x79x128xi32, #tpu.memory_space<hbm>>
      %dma_start3A_62 = tpu.memref_squeeze %dma_start3A_61 : memref<1x1x79x128xi32, #tpu.memory_space<hbm>> -> memref<79x128xi32, #tpu.memory_space<hbm>>
      tpu.enqueue_dma source(%dma_start3A_62 : memref<79x128xi32, #tpu.memory_space<hbm>>) target(%arg6 : memref<79x128xi32, #tpu.memory_space<vmem>>) target_semaphore(%run_scoped3A_54 : memref<!tpu.dma_semaphore, #tpu.memory_space<semaphore_mem>>)
      %dma_wait3A = arith.constant 0 : i32
      %dma_wait3A_63 = arith.constant 0 : i32
      %dma_wait3A_64 = tpu.memref_slice %arg3[%run_scoped3A, %add3A, %dma_wait3A, %dma_wait3A_63] : memref<2x32x79x128xi32, #tpu.memory_space<hbm>> -> memref<1x1x79x128xi32, #tpu.memory_space<hbm>>
      %dma_wait3A_65 = tpu.memref_squeeze %dma_wait3A_64 : memref<1x1x79x128xi32, #tpu.memory_space<hbm>> -> memref<79x128xi32, #tpu.memory_space<hbm>>
      %dma_wait3A_66 = arith.constant 0 : i32
      %dma_wait3A_67 = arith.constant 0 : i32
      %dma_wait3A_68 = tpu.memref_slice %arg3[%run_scoped3A, %add3A, %dma_wait3A_66, %dma_wait3A_67] : memref<2x32x79x128xi32, #tpu.memory_space<hbm>> -> memref<1x1x79x128xi32, #tpu.memory_space<hbm>>
      %dma_wait3A_69 = tpu.memref_squeeze %dma_wait3A_68 : memref<1x1x79x128xi32, #tpu.memory_space<hbm>> -> memref<79x128xi32, #tpu.memory_space<hbm>>
      tpu.wait_dma2 semaphore(%run_scoped3A_54 : memref<!tpu.dma_semaphore, #tpu.memory_space<semaphore_mem>>) src(%dma_wait3A_69 : memref<79x128xi32, #tpu.memory_space<hbm>>) dst(%arg6 : memref<79x128xi32, #tpu.memory_space<vmem>>)
      tpu.yield
    }) : () -> ()
    %run_scoped3A_1 = arith.constant 0 : i32
    "tpu.region"() ({
      %run_scoped3A_54 = tpu.sem_alloc : memref<!tpu.dma_semaphore, #tpu.memory_space<semaphore_mem>>
      %dma_start3A_55 = arith.constant 0 : i32
      %dma_start3A_56 = arith.constant 0 : i32
      %dma_start3A_57 = tpu.memref_slice %arg8[%run_scoped3A_1, %dma_start3A_55, %dma_start3A_56] : memref<2x128x128xf32, #tpu.memory_space<vmem>> -> memref<1x128x128xf32, #tpu.memory_space<vmem>>
      %dma_start3A_58 = tpu.memref_squeeze %dma_start3A_57 : memref<1x128x128xf32, #tpu.memory_space<vmem>> -> memref<128x128xf32, #tpu.memory_space<vmem>>
      %dma_start3A_59 = arith.constant 0 : i32
      %dma_start3A_60 = arith.constant 0 : i32
      %dma_start3A_61 = tpu.memref_slice %arg8[%run_scoped3A_1, %dma_start3A_59, %dma_start3A_60] : memref<2x128x128xf32, #tpu.memory_space<vmem>> -> memref<1x128x128xf32, #tpu.memory_space<vmem>>
      %dma_start3A_62 = tpu.memref_squeeze %dma_start3A_61 : memref<1x128x128xf32, #tpu.memory_space<vmem>> -> memref<128x128xf32, #tpu.memory_space<vmem>>
      tpu.enqueue_dma source(%arg4 : memref<128x128xf32, #tpu.memory_space<hbm>>) target(%dma_start3A_62 : memref<128x128xf32, #tpu.memory_space<vmem>>) target_semaphore(%run_scoped3A_54 : memref<!tpu.dma_semaphore, #tpu.memory_space<semaphore_mem>>)
      %dma_wait3A = arith.constant 0 : i32
      %dma_wait3A_63 = arith.constant 0 : i32
      %dma_wait3A_64 = tpu.memref_slice %arg8[%run_scoped3A_1, %dma_wait3A, %dma_wait3A_63] : memref<2x128x128xf32, #tpu.memory_space<vmem>> -> memref<1x128x128xf32, #tpu.memory_space<vmem>>
      %dma_wait3A_65 = tpu.memref_squeeze %dma_wait3A_64 : memref<1x128x128xf32, #tpu.memory_space<vmem>> -> memref<128x128xf32, #tpu.memory_space<vmem>>
      %dma_wait3A_66 = arith.constant 0 : i32
      %dma_wait3A_67 = arith.constant 0 : i32
      %dma_wait3A_68 = tpu.memref_slice %arg8[%run_scoped3A_1, %dma_wait3A_66, %dma_wait3A_67] : memref<2x128x128xf32, #tpu.memory_space<vmem>> -> memref<1x128x128xf32, #tpu.memory_space<vmem>>
      %dma_wait3A_69 = tpu.memref_squeeze %dma_wait3A_68 : memref<1x128x128xf32, #tpu.memory_space<vmem>> -> memref<128x128xf32, #tpu.memory_space<vmem>>
      tpu.wait_dma2 semaphore(%run_scoped3A_54 : memref<!tpu.dma_semaphore, #tpu.memory_space<semaphore_mem>>) src(%arg4 : memref<128x128xf32, #tpu.memory_space<hbm>>) dst(%dma_wait3A_69 : memref<128x128xf32, #tpu.memory_space<vmem>>)
      tpu.yield
    }) : () -> ()
    %mul3A_2 = arith.constant 640 : i32
    %mul3A_3 = arith.muli %arg1, %mul3A_2 : i32
    %scan3A = arith.constant 0 : i32
    %scan3A_4 = arith.constant 0 : i32
    %scan3A_5 = arith.constant 5 : i32
    %scan3A_6 = arith.addi %scan3A_4, %scan3A_5 : i32
    %scan3A_7 = arith.constant 1 : i32
    scf.for %scan3A_54 = %scan3A_4 to %scan3A_6 step %scan3A_7  : i32 {
      %mul3A_55 = arith.constant 128 : i32
      %mul3A_56 = arith.muli %scan3A_54, %mul3A_55 : i32
      %add3A_57 = arith.addi %mul3A_3, %mul3A_56 : i32
      %run_scoped3A_58 = arith.constant 0 : i32
      "tpu.region"() ({
        %run_scoped3A_59 = tpu.sem_alloc : memref<!tpu.dma_semaphore, #tpu.memory_space<semaphore_mem>>
        %dma_start3A_60 = arith.constant 0 : i32
        %dma_start3A_61 = arith.constant 0 : i32
        %dma_start3A_62 = tpu.memref_slice %arg8[%run_scoped3A_58, %dma_start3A_60, %dma_start3A_61] : memref<2x128x128xf32, #tpu.memory_space<vmem>> -> memref<1x128x128xf32, #tpu.memory_space<vmem>>
        %dma_start3A_63 = tpu.memref_squeeze %dma_start3A_62 : memref<1x128x128xf32, #tpu.memory_space<vmem>> -> memref<128x128xf32, #tpu.memory_space<vmem>>
        %dma_start3A_64 = arith.constant 0 : i32
        %dma_start3A_65 = tpu.memref_slice %arg11[%add3A_57, %dma_start3A_64] : memref<10240x128xf32, #tpu.memory_space<vmem_shared>> -> memref<128x128xf32, #tpu.memory_space<vmem_shared>>
        %dma_start3A_66 = arith.constant 0 : i32
        %dma_start3A_67 = tpu.memref_slice %arg11[%add3A_57, %dma_start3A_66] : memref<10240x128xf32, #tpu.memory_space<vmem_shared>> -> memref<128x128xf32, #tpu.memory_space<vmem_shared>>
        %dma_start3A_68 = arith.constant 0 : i32
        %dma_start3A_69 = arith.constant 0 : i32
        %dma_start3A_70 = tpu.memref_slice %arg8[%run_scoped3A_58, %dma_start3A_68, %dma_start3A_69] : memref<2x128x128xf32, #tpu.memory_space<vmem>> -> memref<1x128x128xf32, #tpu.memory_space<vmem>>
        %dma_start3A_71 = tpu.memref_squeeze %dma_start3A_70 : memref<1x128x128xf32, #tpu.memory_space<vmem>> -> memref<128x128xf32, #tpu.memory_space<vmem>>
        tpu.enqueue_dma source(%dma_start3A_71 : memref<128x128xf32, #tpu.memory_space<vmem>>) target(%dma_start3A_67 : memref<128x128xf32, #tpu.memory_space<vmem_shared>>) target_semaphore(%run_scoped3A_59 : memref<!tpu.dma_semaphore, #tpu.memory_space<semaphore_mem>>)
        %dma_wait3A = arith.constant 0 : i32
        %dma_wait3A_72 = arith.constant 0 : i32
        %dma_wait3A_73 = tpu.memref_slice %arg8[%run_scoped3A_58, %dma_wait3A, %dma_wait3A_72] : memref<2x128x128xf32, #tpu.memory_space<vmem>> -> memref<1x128x128xf32, #tpu.memory_space<vmem>>
        %dma_wait3A_74 = tpu.memref_squeeze %dma_wait3A_73 : memref<1x128x128xf32, #tpu.memory_space<vmem>> -> memref<128x128xf32, #tpu.memory_space<vmem>>
        %dma_wait3A_75 = arith.constant 0 : i32
        %dma_wait3A_76 = tpu.memref_slice %arg11[%add3A_57, %dma_wait3A_75] : memref<10240x128xf32, #tpu.memory_space<vmem_shared>> -> memref<128x128xf32, #tpu.memory_space<vmem_shared>>
        %dma_wait3A_77 = arith.constant 0 : i32
        %dma_wait3A_78 = tpu.memref_slice %arg11[%add3A_57, %dma_wait3A_77] : memref<10240x128xf32, #tpu.memory_space<vmem_shared>> -> memref<128x128xf32, #tpu.memory_space<vmem_shared>>
        %dma_wait3A_79 = arith.constant 0 : i32
        %dma_wait3A_80 = arith.constant 0 : i32
        %dma_wait3A_81 = tpu.memref_slice %arg8[%run_scoped3A_58, %dma_wait3A_79, %dma_wait3A_80] : memref<2x128x128xf32, #tpu.memory_space<vmem>> -> memref<1x128x128xf32, #tpu.memory_space<vmem>>
        %dma_wait3A_82 = tpu.memref_squeeze %dma_wait3A_81 : memref<1x128x128xf32, #tpu.memory_space<vmem>> -> memref<128x128xf32, #tpu.memory_space<vmem>>
        tpu.wait_dma2 semaphore(%run_scoped3A_59 : memref<!tpu.dma_semaphore, #tpu.memory_space<semaphore_mem>>) src(%dma_wait3A_82 : memref<128x128xf32, #tpu.memory_space<vmem>>) dst(%dma_wait3A_78 : memref<128x128xf32, #tpu.memory_space<vmem_shared>>)
        tpu.yield
      }) : () -> ()
    }
    %scan3A_8 = arith.constant 5 : i32
    %barrier3A = arith.constant 0 : index
    tpu.barrier barrier_id(%barrier3A)
    %dma_start3A = arith.constant 1 : i32
    %dma_start3A_9 = arith.constant 0 : i32
    %dma_start3A_10 = arith.constant 0 : i32
    %dma_start3A_11 = arith.constant 0 : i32
    %dma_start3A_12 = arith.constant 0 : i32
    %dma_start3A_13 = tpu.memref_slice %arg7[%dma_start3A_10, %dma_start3A_12] : memref<2x128xi32, #tpu.memory_space<vmem>> -> memref<1x128xi32, #tpu.memory_space<vmem>>
    %dma_start3A_14 = tpu.memref_squeeze %dma_start3A_13 : memref<1x128xi32, #tpu.memory_space<vmem>> -> memref<128xi32, #tpu.memory_space<vmem>>
    %dma_start3A_15 = arith.constant 0 : i32
    %dma_start3A_16 = tpu.memref_slice %arg3[%dma_start3A, %add3A, %dma_start3A_9, %dma_start3A_15] : memref<2x32x79x128xi32, #tpu.memory_space<hbm>> -> memref<1x1x1x128xi32, #tpu.memory_space<hbm>>
    %dma_start3A_17 = tpu.memref_squeeze %dma_start3A_16 : memref<1x1x1x128xi32, #tpu.memory_space<hbm>> -> memref<128xi32, #tpu.memory_space<hbm>>
    %dma_start3A_18 = tpu.memref_slice %arg10[%dma_start3A_11] : memref<2x!tpu.dma_semaphore, #tpu.memory_space<semaphore_mem>> -> memref<1x!tpu.dma_semaphore, #tpu.memory_space<semaphore_mem>>
    %dma_start3A_19 = tpu.memref_squeeze %dma_start3A_18 : memref<1x!tpu.dma_semaphore, #tpu.memory_space<semaphore_mem>> -> memref<!tpu.dma_semaphore, #tpu.memory_space<semaphore_mem>>
    %dma_start3A_20 = arith.constant 0 : i32
    %dma_start3A_21 = tpu.memref_slice %arg7[%dma_start3A_10, %dma_start3A_20] : memref<2x128xi32, #tpu.memory_space<vmem>> -> memref<1x128xi32, #tpu.memory_space<vmem>>
    %dma_start3A_22 = tpu.memref_squeeze %dma_start3A_21 : memref<1x128xi32, #tpu.memory_space<vmem>> -> memref<128xi32, #tpu.memory_space<vmem>>
    %dma_start3A_23 = arith.constant 0 : i32
    %dma_start3A_24 = tpu.memref_slice %arg3[%dma_start3A, %add3A, %dma_start3A_9, %dma_start3A_23] : memref<2x32x79x128xi32, #tpu.memory_space<hbm>> -> memref<1x1x1x128xi32, #tpu.memory_space<hbm>>
    %dma_start3A_25 = tpu.memref_squeeze %dma_start3A_24 : memref<1x1x1x128xi32, #tpu.memory_space<hbm>> -> memref<128xi32, #tpu.memory_space<hbm>>
    tpu.enqueue_dma source(%dma_start3A_25 : memref<128xi32, #tpu.memory_space<hbm>>) target(%dma_start3A_22 : memref<128xi32, #tpu.memory_space<vmem>>) target_semaphore(%dma_start3A_19 : memref<!tpu.dma_semaphore, #tpu.memory_space<semaphore_mem>>)
    %dma_start3A_26 = arith.constant 0 : i32
    %dma_start3A_27 = arith.constant 0 : i32
    %dma_start3A_28 = arith.constant 0 : i32
    %dma_start3A_29 = arith.constant 0 : i32
    %dma_start3A_30 = arith.constant 0 : i32
    %dma_start3A_31 = tpu.memref_slice %arg8[%dma_start3A_27, %dma_start3A_29, %dma_start3A_30] : memref<2x128x128xf32, #tpu.memory_space<vmem>> -> memref<1x128x128xf32, #tpu.memory_space<vmem>>
    %dma_start3A_32 = tpu.memref_squeeze %dma_start3A_31 : memref<1x128x128xf32, #tpu.memory_space<vmem>> -> memref<128x128xf32, #tpu.memory_space<vmem>>
    %dma_start3A_33 = arith.constant 0 : i32
    %dma_start3A_34 = tpu.memref_slice %arg6[%dma_start3A_26, %dma_start3A_33] : memref<79x128xi32, #tpu.memory_space<vmem>> -> memref<1x128xi32, #tpu.memory_space<vmem>>
    %dma_start3A_35 = tpu.memref_squeeze %dma_start3A_34 : memref<1x128xi32, #tpu.memory_space<vmem>> -> memref<128xi32, #tpu.memory_space<vmem>>
    %dma_start3A_36 = arith.constant 0 : i32
    %dma_start3A_37 = arith.constant 0 : i32
    %dma_start3A_38 = tpu.memref_slice %arg2[%dma_start3A_36, %dma_start3A_37] : memref<10240x128xf32, #tpu.memory_space<hbm>> -> memref<10240x128xf32, #tpu.memory_space<hbm>>
    %dma_start3A_39 = tpu.memref_slice %arg9[%dma_start3A_28] : memref<2x!tpu.dma_semaphore, #tpu.memory_space<semaphore_mem>> -> memref<1x!tpu.dma_semaphore, #tpu.memory_space<semaphore_mem>>
    %dma_start3A_40 = tpu.memref_squeeze %dma_start3A_39 : memref<1x!tpu.dma_semaphore, #tpu.memory_space<semaphore_mem>> -> memref<!tpu.dma_semaphore, #tpu.memory_space<semaphore_mem>>
    tpu.enqueue_indirect_dma source(%dma_start3A_38 : memref<10240x128xf32, #tpu.memory_space<hbm>>) target(%dma_start3A_32 : memref<128x128xf32, #tpu.memory_space<vmem>>) offsets(%dma_start3A_35 : memref<128xi32, #tpu.memory_space<vmem>>) semaphore(%dma_start3A_40 : memref<!tpu.dma_semaphore, #tpu.memory_space<semaphore_mem>>)
    %scan3A_41 = arith.constant 0 : i32
    %scan3A_42 = arith.constant 0 : i32
    %scan3A_43 = arith.constant 79 : i32
    %scan3A_44 = arith.addi %scan3A_42, %scan3A_43 : i32
    %scan3A_45 = arith.constant 1 : i32
    scf.for %scan3A_54 = %scan3A_42 to %scan3A_44 step %scan3A_45  : i32 {
      %rem3A = arith.constant 2 : i32
      %rem3A_55 = arith.remsi %scan3A_54, %rem3A : i32
      %add3A_56 = arith.constant 1 : i32
      %add3A_57 = arith.addi %scan3A_54, %add3A_56 : i32
      %rem3A_58 = arith.constant 2 : i32
      %rem3A_59 = arith.remsi %add3A_57, %rem3A_58 : i32
      %add3A_60 = arith.constant 1 : i32
      %add3A_61 = arith.addi %scan3A_54, %add3A_60 : i32
      %lt3A = arith.constant 79 : i32
      %lt3A_62 = arith.cmpi slt, %add3A_61, %lt3A : i32
      %convert_element_type3A = arith.extui %lt3A_62 : i1 to i32
      %cond3A = arith.constant 0 : i32
      %cond3A_63 = arith.cmpi ne, %convert_element_type3A, %cond3A : i32
      scf.if %cond3A_63 {
        %add3A_90 = arith.constant 1 : i32
        %add3A_91 = arith.addi %scan3A_54, %add3A_90 : i32
        %dma_start3A_92 = arith.constant 1 : i32
        %dma_start3A_93 = arith.constant 0 : i32
        %dma_start3A_94 = tpu.memref_slice %arg7[%rem3A_59, %dma_start3A_93] : memref<2x128xi32, #tpu.memory_space<vmem>> -> memref<1x128xi32, #tpu.memory_space<vmem>>
        %dma_start3A_95 = tpu.memref_squeeze %dma_start3A_94 : memref<1x128xi32, #tpu.memory_space<vmem>> -> memref<128xi32, #tpu.memory_space<vmem>>
        %dma_start3A_96 = arith.constant 0 : i32
        %dma_start3A_97 = tpu.memref_slice %arg3[%dma_start3A_92, %add3A, %add3A_91, %dma_start3A_96] : memref<2x32x79x128xi32, #tpu.memory_space<hbm>> -> memref<1x1x1x128xi32, #tpu.memory_space<hbm>>
        %dma_start3A_98 = tpu.memref_squeeze %dma_start3A_97 : memref<1x1x1x128xi32, #tpu.memory_space<hbm>> -> memref<128xi32, #tpu.memory_space<hbm>>
        %dma_start3A_99 = tpu.memref_slice %arg10[%rem3A_59] : memref<2x!tpu.dma_semaphore, #tpu.memory_space<semaphore_mem>> -> memref<1x!tpu.dma_semaphore, #tpu.memory_space<semaphore_mem>>
        %dma_start3A_100 = tpu.memref_squeeze %dma_start3A_99 : memref<1x!tpu.dma_semaphore, #tpu.memory_space<semaphore_mem>> -> memref<!tpu.dma_semaphore, #tpu.memory_space<semaphore_mem>>
        %dma_start3A_101 = arith.constant 0 : i32
        %dma_start3A_102 = tpu.memref_slice %arg7[%rem3A_59, %dma_start3A_101] : memref<2x128xi32, #tpu.memory_space<vmem>> -> memref<1x128xi32, #tpu.memory_space<vmem>>
        %dma_start3A_103 = tpu.memref_squeeze %dma_start3A_102 : memref<1x128xi32, #tpu.memory_space<vmem>> -> memref<128xi32, #tpu.memory_space<vmem>>
        %dma_start3A_104 = arith.constant 0 : i32
        %dma_start3A_105 = tpu.memref_slice %arg3[%dma_start3A_92, %add3A, %add3A_91, %dma_start3A_104] : memref<2x32x79x128xi32, #tpu.memory_space<hbm>> -> memref<1x1x1x128xi32, #tpu.memory_space<hbm>>
        %dma_start3A_106 = tpu.memref_squeeze %dma_start3A_105 : memref<1x1x1x128xi32, #tpu.memory_space<hbm>> -> memref<128xi32, #tpu.memory_space<hbm>>
        tpu.enqueue_dma source(%dma_start3A_106 : memref<128xi32, #tpu.memory_space<hbm>>) target(%dma_start3A_103 : memref<128xi32, #tpu.memory_space<vmem>>) target_semaphore(%dma_start3A_100 : memref<!tpu.dma_semaphore, #tpu.memory_space<semaphore_mem>>)
        %add3A_107 = arith.constant 1 : i32
        %add3A_108 = arith.addi %scan3A_54, %add3A_107 : i32
        %dma_start3A_109 = arith.constant 0 : i32
        %dma_start3A_110 = arith.constant 0 : i32
        %dma_start3A_111 = tpu.memref_slice %arg8[%rem3A_59, %dma_start3A_109, %dma_start3A_110] : memref<2x128x128xf32, #tpu.memory_space<vmem>> -> memref<1x128x128xf32, #tpu.memory_space<vmem>>
        %dma_start3A_112 = tpu.memref_squeeze %dma_start3A_111 : memref<1x128x128xf32, #tpu.memory_space<vmem>> -> memref<128x128xf32, #tpu.memory_space<vmem>>
        %dma_start3A_113 = arith.constant 0 : i32
        %dma_start3A_114 = tpu.memref_slice %arg6[%add3A_108, %dma_start3A_113] : memref<79x128xi32, #tpu.memory_space<vmem>> -> memref<1x128xi32, #tpu.memory_space<vmem>>
        %dma_start3A_115 = tpu.memref_squeeze %dma_start3A_114 : memref<1x128xi32, #tpu.memory_space<vmem>> -> memref<128xi32, #tpu.memory_space<vmem>>
        %dma_start3A_116 = arith.constant 0 : i32
        %dma_start3A_117 = arith.constant 0 : i32
        %dma_start3A_118 = tpu.memref_slice %arg2[%dma_start3A_116, %dma_start3A_117] : memref<10240x128xf32, #tpu.memory_space<hbm>> -> memref<10240x128xf32, #tpu.memory_space<hbm>>
        %dma_start3A_119 = tpu.memref_slice %arg9[%rem3A_59] : memref<2x!tpu.dma_semaphore, #tpu.memory_space<semaphore_mem>> -> memref<1x!tpu.dma_semaphore, #tpu.memory_space<semaphore_mem>>
        %dma_start3A_120 = tpu.memref_squeeze %dma_start3A_119 : memref<1x!tpu.dma_semaphore, #tpu.memory_space<semaphore_mem>> -> memref<!tpu.dma_semaphore, #tpu.memory_space<semaphore_mem>>
        tpu.enqueue_indirect_dma source(%dma_start3A_118 : memref<10240x128xf32, #tpu.memory_space<hbm>>) target(%dma_start3A_112 : memref<128x128xf32, #tpu.memory_space<vmem>>) offsets(%dma_start3A_115 : memref<128xi32, #tpu.memory_space<vmem>>) semaphore(%dma_start3A_120 : memref<!tpu.dma_semaphore, #tpu.memory_space<semaphore_mem>>)
      } else {
      }
      %dma_wait3A = arith.constant 0 : i32
      %dma_wait3A_64 = arith.constant 0 : i32
      %dma_wait3A_65 = tpu.memref_slice %arg8[%rem3A_55, %dma_wait3A, %dma_wait3A_64] : memref<2x128x128xf32, #tpu.memory_space<vmem>> -> memref<1x128x128xf32, #tpu.memory_space<vmem>>
      %dma_wait3A_66 = tpu.memref_squeeze %dma_wait3A_65 : memref<1x128x128xf32, #tpu.memory_space<vmem>> -> memref<128x128xf32, #tpu.memory_space<vmem>>
      %dma_wait3A_67 = arith.constant 0 : i32
      %dma_wait3A_68 = tpu.memref_slice %arg6[%scan3A_54, %dma_wait3A_67] : memref<79x128xi32, #tpu.memory_space<vmem>> -> memref<1x128xi32, #tpu.memory_space<vmem>>
      %dma_wait3A_69 = tpu.memref_squeeze %dma_wait3A_68 : memref<1x128xi32, #tpu.memory_space<vmem>> -> memref<128xi32, #tpu.memory_space<vmem>>
      %dma_wait3A_70 = arith.constant 0 : i32
      %dma_wait3A_71 = arith.constant 0 : i32
      %dma_wait3A_72 = tpu.memref_slice %arg2[%dma_wait3A_70, %dma_wait3A_71] : memref<10240x128xf32, #tpu.memory_space<hbm>> -> memref<10240x128xf32, #tpu.memory_space<hbm>>
      %dma_wait3A_73 = tpu.memref_slice %arg9[%rem3A_55] : memref<2x!tpu.dma_semaphore, #tpu.memory_space<semaphore_mem>> -> memref<1x!tpu.dma_semaphore, #tpu.memory_space<semaphore_mem>>
      %dma_wait3A_74 = tpu.memref_squeeze %dma_wait3A_73 : memref<1x!tpu.dma_semaphore, #tpu.memory_space<semaphore_mem>> -> memref<!tpu.dma_semaphore, #tpu.memory_space<semaphore_mem>>
      tpu.wait_indirect_dma semaphore(%dma_wait3A_74 : memref<!tpu.dma_semaphore, #tpu.memory_space<semaphore_mem>>) src(%dma_wait3A_72 : memref<10240x128xf32, #tpu.memory_space<hbm>>) dst(%dma_wait3A_66 : memref<128x128xf32, #tpu.memory_space<vmem>>)
      %dma_wait3A_75 = arith.constant 1 : i32
      %dma_wait3A_76 = arith.constant 0 : i32
      %dma_wait3A_77 = tpu.memref_slice %arg7[%rem3A_55, %dma_wait3A_76] : memref<2x128xi32, #tpu.memory_space<vmem>> -> memref<1x128xi32, #tpu.memory_space<vmem>>
      %dma_wait3A_78 = tpu.memref_squeeze %dma_wait3A_77 : memref<1x128xi32, #tpu.memory_space<vmem>> -> memref<128xi32, #tpu.memory_space<vmem>>
      %dma_wait3A_79 = arith.constant 0 : i32
      %dma_wait3A_80 = tpu.memref_slice %arg3[%dma_wait3A_75, %add3A, %scan3A_54, %dma_wait3A_79] : memref<2x32x79x128xi32, #tpu.memory_space<hbm>> -> memref<1x1x1x128xi32, #tpu.memory_space<hbm>>
      %dma_wait3A_81 = tpu.memref_squeeze %dma_wait3A_80 : memref<1x1x1x128xi32, #tpu.memory_space<hbm>> -> memref<128xi32, #tpu.memory_space<hbm>>
      %dma_wait3A_82 = tpu.memref_slice %arg10[%rem3A_55] : memref<2x!tpu.dma_semaphore, #tpu.memory_space<semaphore_mem>> -> memref<1x!tpu.dma_semaphore, #tpu.memory_space<semaphore_mem>>
      %dma_wait3A_83 = tpu.memref_squeeze %dma_wait3A_82 : memref<1x!tpu.dma_semaphore, #tpu.memory_space<semaphore_mem>> -> memref<!tpu.dma_semaphore, #tpu.memory_space<semaphore_mem>>
      %dma_wait3A_84 = arith.constant 0 : i32
      %dma_wait3A_85 = tpu.memref_slice %arg7[%rem3A_55, %dma_wait3A_84] : memref<2x128xi32, #tpu.memory_space<vmem>> -> memref<1x128xi32, #tpu.memory_space<vmem>>
      %dma_wait3A_86 = tpu.memref_squeeze %dma_wait3A_85 : memref<1x128xi32, #tpu.memory_space<vmem>> -> memref<128xi32, #tpu.memory_space<vmem>>
      %dma_wait3A_87 = arith.constant 0 : i32
      %dma_wait3A_88 = tpu.memref_slice %arg3[%dma_wait3A_75, %add3A, %scan3A_54, %dma_wait3A_87] : memref<2x32x79x128xi32, #tpu.memory_space<hbm>> -> memref<1x1x1x128xi32, #tpu.memory_space<hbm>>
      %dma_wait3A_89 = tpu.memref_squeeze %dma_wait3A_88 : memref<1x1x1x128xi32, #tpu.memory_space<hbm>> -> memref<128xi32, #tpu.memory_space<hbm>>
      tpu.wait_dma2 semaphore(%dma_wait3A_83 : memref<!tpu.dma_semaphore, #tpu.memory_space<semaphore_mem>>) src(%dma_wait3A_89 : memref<128xi32, #tpu.memory_space<hbm>>) dst(%dma_wait3A_86 : memref<128xi32, #tpu.memory_space<vmem>>)
      "tpu.region"() ({
        %run_scoped3A_90 = tpu.sem_alloc : memref<!tpu.dma_semaphore, #tpu.memory_space<semaphore_mem>>
        %dma_start3A_91 = arith.constant 0 : i32
        %dma_start3A_92 = arith.constant 0 : i32
        %dma_start3A_93 = tpu.memref_slice %arg8[%rem3A_55, %dma_start3A_91, %dma_start3A_92] : memref<2x128x128xf32, #tpu.memory_space<vmem>> -> memref<1x128x128xf32, #tpu.memory_space<vmem>>
        %dma_start3A_94 = tpu.memref_squeeze %dma_start3A_93 : memref<1x128x128xf32, #tpu.memory_space<vmem>> -> memref<128x128xf32, #tpu.memory_space<vmem>>
        %dma_start3A_95 = arith.constant 0 : i32
        %dma_start3A_96 = tpu.memref_slice %arg7[%rem3A_55, %dma_start3A_95] : memref<2x128xi32, #tpu.memory_space<vmem>> -> memref<1x128xi32, #tpu.memory_space<vmem>>
        %dma_start3A_97 = tpu.memref_squeeze %dma_start3A_96 : memref<1x128xi32, #tpu.memory_space<vmem>> -> memref<128xi32, #tpu.memory_space<vmem>>
        %dma_start3A_98 = arith.constant 0 : i32
        %dma_start3A_99 = arith.constant 0 : i32
        %dma_start3A_100 = tpu.memref_slice %arg11[%dma_start3A_98, %dma_start3A_99] : memref<10240x128xf32, #tpu.memory_space<vmem_shared>> -> memref<10240x128xf32, #tpu.memory_space<vmem_shared>>
        tpu.enqueue_indirect_dma source(%dma_start3A_94 : memref<128x128xf32, #tpu.memory_space<vmem>>) target(%dma_start3A_100 : memref<10240x128xf32, #tpu.memory_space<vmem_shared>>) offsets(%dma_start3A_97 : memref<128xi32, #tpu.memory_space<vmem>>) semaphore(%run_scoped3A_90 : memref<!tpu.dma_semaphore, #tpu.memory_space<semaphore_mem>>) {add = true}
        %dma_wait3A_101 = arith.constant 0 : i32
        %dma_wait3A_102 = arith.constant 0 : i32
        %dma_wait3A_103 = tpu.memref_slice %arg8[%rem3A_55, %dma_wait3A_101, %dma_wait3A_102] : memref<2x128x128xf32, #tpu.memory_space<vmem>> -> memref<1x128x128xf32, #tpu.memory_space<vmem>>
        %dma_wait3A_104 = tpu.memref_squeeze %dma_wait3A_103 : memref<1x128x128xf32, #tpu.memory_space<vmem>> -> memref<128x128xf32, #tpu.memory_space<vmem>>
        %dma_wait3A_105 = arith.constant 0 : i32
        %dma_wait3A_106 = tpu.memref_slice %arg7[%rem3A_55, %dma_wait3A_105] : memref<2x128xi32, #tpu.memory_space<vmem>> -> memref<1x128xi32, #tpu.memory_space<vmem>>
        %dma_wait3A_107 = tpu.memref_squeeze %dma_wait3A_106 : memref<1x128xi32, #tpu.memory_space<vmem>> -> memref<128xi32, #tpu.memory_space<vmem>>
        %dma_wait3A_108 = arith.constant 0 : i32
        %dma_wait3A_109 = arith.constant 0 : i32
        %dma_wait3A_110 = tpu.memref_slice %arg11[%dma_wait3A_108, %dma_wait3A_109] : memref<10240x128xf32, #tpu.memory_space<vmem_shared>> -> memref<10240x128xf32, #tpu.memory_space<vmem_shared>>
        tpu.wait_indirect_dma semaphore(%run_scoped3A_90 : memref<!tpu.dma_semaphore, #tpu.memory_space<semaphore_mem>>) src(%dma_wait3A_104 : memref<128x128xf32, #tpu.memory_space<vmem>>) dst(%dma_wait3A_110 : memref<10240x128xf32, #tpu.memory_space<vmem_shared>>)
        tpu.yield
      }) : () -> ()
    }
    %scan3A_46 = arith.constant 79 : i32
    %barrier3A_47 = arith.constant 0 : index
    tpu.barrier barrier_id(%barrier3A_47)
    %scan3A_48 = arith.constant 0 : i32
    %scan3A_49 = arith.constant 0 : i32
    %scan3A_50 = arith.constant 5 : i32
    %scan3A_51 = arith.addi %scan3A_49, %scan3A_50 : i32
    %scan3A_52 = arith.constant 1 : i32
    scf.for %scan3A_54 = %scan3A_49 to %scan3A_51 step %scan3A_52  : i32 {
      %mul3A_55 = arith.constant 128 : i32
      %mul3A_56 = arith.muli %scan3A_54, %mul3A_55 : i32
      %add3A_57 = arith.addi %mul3A_3, %mul3A_56 : i32
      %run_scoped3A_58 = arith.constant 0 : i32
      "tpu.region"() ({
        %run_scoped3A_63 = tpu.sem_alloc : memref<!tpu.dma_semaphore, #tpu.memory_space<semaphore_mem>>
        %dma_start3A_64 = arith.constant 0 : i32
        %dma_start3A_65 = arith.constant 0 : i32
        %dma_start3A_66 = tpu.memref_slice %arg8[%run_scoped3A_58, %dma_start3A_64, %dma_start3A_65] : memref<2x128x128xf32, #tpu.memory_space<vmem>> -> memref<1x128x128xf32, #tpu.memory_space<vmem>>
        %dma_start3A_67 = tpu.memref_squeeze %dma_start3A_66 : memref<1x128x128xf32, #tpu.memory_space<vmem>> -> memref<128x128xf32, #tpu.memory_space<vmem>>
        %dma_start3A_68 = arith.constant 0 : i32
        %dma_start3A_69 = tpu.memref_slice %arg11[%add3A_57, %dma_start3A_68] : memref<10240x128xf32, #tpu.memory_space<vmem_shared>> -> memref<128x128xf32, #tpu.memory_space<vmem_shared>>
        %dma_start3A_70 = arith.constant 0 : i32
        %dma_start3A_71 = arith.constant 0 : i32
        %dma_start3A_72 = tpu.memref_slice %arg8[%run_scoped3A_58, %dma_start3A_70, %dma_start3A_71] : memref<2x128x128xf32, #tpu.memory_space<vmem>> -> memref<1x128x128xf32, #tpu.memory_space<vmem>>
        %dma_start3A_73 = tpu.memref_squeeze %dma_start3A_72 : memref<1x128x128xf32, #tpu.memory_space<vmem>> -> memref<128x128xf32, #tpu.memory_space<vmem>>
        %dma_start3A_74 = arith.constant 0 : i32
        %dma_start3A_75 = tpu.memref_slice %arg11[%add3A_57, %dma_start3A_74] : memref<10240x128xf32, #tpu.memory_space<vmem_shared>> -> memref<128x128xf32, #tpu.memory_space<vmem_shared>>
        tpu.enqueue_dma source(%dma_start3A_75 : memref<128x128xf32, #tpu.memory_space<vmem_shared>>) target(%dma_start3A_73 : memref<128x128xf32, #tpu.memory_space<vmem>>) target_semaphore(%run_scoped3A_63 : memref<!tpu.dma_semaphore, #tpu.memory_space<semaphore_mem>>)
        %dma_wait3A = arith.constant 0 : i32
        %dma_wait3A_76 = arith.constant 0 : i32
        %dma_wait3A_77 = tpu.memref_slice %arg8[%run_scoped3A_58, %dma_wait3A, %dma_wait3A_76] : memref<2x128x128xf32, #tpu.memory_space<vmem>> -> memref<1x128x128xf32, #tpu.memory_space<vmem>>
        %dma_wait3A_78 = tpu.memref_squeeze %dma_wait3A_77 : memref<1x128x128xf32, #tpu.memory_space<vmem>> -> memref<128x128xf32, #tpu.memory_space<vmem>>
        %dma_wait3A_79 = arith.constant 0 : i32
        %dma_wait3A_80 = tpu.memref_slice %arg11[%add3A_57, %dma_wait3A_79] : memref<10240x128xf32, #tpu.memory_space<vmem_shared>> -> memref<128x128xf32, #tpu.memory_space<vmem_shared>>
        %dma_wait3A_81 = arith.constant 0 : i32
        %dma_wait3A_82 = arith.constant 0 : i32
        %dma_wait3A_83 = tpu.memref_slice %arg8[%run_scoped3A_58, %dma_wait3A_81, %dma_wait3A_82] : memref<2x128x128xf32, #tpu.memory_space<vmem>> -> memref<1x128x128xf32, #tpu.memory_space<vmem>>
        %dma_wait3A_84 = tpu.memref_squeeze %dma_wait3A_83 : memref<1x128x128xf32, #tpu.memory_space<vmem>> -> memref<128x128xf32, #tpu.memory_space<vmem>>
        %dma_wait3A_85 = arith.constant 0 : i32
        %dma_wait3A_86 = tpu.memref_slice %arg11[%add3A_57, %dma_wait3A_85] : memref<10240x128xf32, #tpu.memory_space<vmem_shared>> -> memref<128x128xf32, #tpu.memory_space<vmem_shared>>
        tpu.wait_dma2 semaphore(%run_scoped3A_63 : memref<!tpu.dma_semaphore, #tpu.memory_space<semaphore_mem>>) src(%dma_wait3A_86 : memref<128x128xf32, #tpu.memory_space<vmem_shared>>) dst(%dma_wait3A_84 : memref<128x128xf32, #tpu.memory_space<vmem>>)
        tpu.yield
      }) : () -> ()
      %mul3A_59 = arith.constant 128 : i32
      %mul3A_60 = arith.muli %scan3A_54, %mul3A_59 : i32
      %add3A_61 = arith.addi %mul3A_3, %mul3A_60 : i32
      %run_scoped3A_62 = arith.constant 0 : i32
      "tpu.region"() ({
        %run_scoped3A_63 = tpu.sem_alloc : memref<!tpu.dma_semaphore, #tpu.memory_space<semaphore_mem>>
        %dma_start3A_64 = arith.constant 0 : i32
        %dma_start3A_65 = arith.constant 0 : i32
        %dma_start3A_66 = tpu.memref_slice %arg8[%run_scoped3A_62, %dma_start3A_64, %dma_start3A_65] : memref<2x128x128xf32, #tpu.memory_space<vmem>> -> memref<1x128x128xf32, #tpu.memory_space<vmem>>
        %dma_start3A_67 = tpu.memref_squeeze %dma_start3A_66 : memref<1x128x128xf32, #tpu.memory_space<vmem>> -> memref<128x128xf32, #tpu.memory_space<vmem>>
        %dma_start3A_68 = arith.constant 0 : i32
        %dma_start3A_69 = tpu.memref_slice %arg5[%arg0, %add3A_61, %dma_start3A_68] : memref<2x10240x128xf32, #tpu.memory_space<hbm>> -> memref<1x128x128xf32, #tpu.memory_space<hbm>>
        %dma_start3A_70 = tpu.memref_squeeze %dma_start3A_69 : memref<1x128x128xf32, #tpu.memory_space<hbm>> -> memref<128x128xf32, #tpu.memory_space<hbm>>
        %dma_start3A_71 = arith.constant 0 : i32
        %dma_start3A_72 = tpu.memref_slice %arg5[%arg0, %add3A_61, %dma_start3A_71] : memref<2x10240x128xf32, #tpu.memory_space<hbm>> -> memref<1x128x128xf32, #tpu.memory_space<hbm>>
        %dma_start3A_73 = tpu.memref_squeeze %dma_start3A_72 : memref<1x128x128xf32, #tpu.memory_space<hbm>> -> memref<128x128xf32, #tpu.memory_space<hbm>>
        %dma_start3A_74 = arith.constant 0 : i32
        %dma_start3A_75 = arith.constant 0 : i32
        %dma_start3A_76 = tpu.memref_slice %arg8[%run_scoped3A_62, %dma_start3A_74, %dma_start3A_75] : memref<2x128x128xf32, #tpu.memory_space<vmem>> -> memref<1x128x128xf32, #tpu.memory_space<vmem>>
        %dma_start3A_77 = tpu.memref_squeeze %dma_start3A_76 : memref<1x128x128xf32, #tpu.memory_space<vmem>> -> memref<128x128xf32, #tpu.memory_space<vmem>>
        tpu.enqueue_dma source(%dma_start3A_77 : memref<128x128xf32, #tpu.memory_space<vmem>>) target(%dma_start3A_73 : memref<128x128xf32, #tpu.memory_space<hbm>>) target_semaphore(%run_scoped3A_63 : memref<!tpu.dma_semaphore, #tpu.memory_space<semaphore_mem>>)
        %dma_wait3A = arith.constant 0 : i32
        %dma_wait3A_78 = arith.constant 0 : i32
        %dma_wait3A_79 = tpu.memref_slice %arg8[%run_scoped3A_62, %dma_wait3A, %dma_wait3A_78] : memref<2x128x128xf32, #tpu.memory_space<vmem>> -> memref<1x128x128xf32, #tpu.memory_space<vmem>>
        %dma_wait3A_80 = tpu.memref_squeeze %dma_wait3A_79 : memref<1x128x128xf32, #tpu.memory_space<vmem>> -> memref<128x128xf32, #tpu.memory_space<vmem>>
        %dma_wait3A_81 = arith.constant 0 : i32
        %dma_wait3A_82 = tpu.memref_slice %arg5[%arg0, %add3A_61, %dma_wait3A_81] : memref<2x10240x128xf32, #tpu.memory_space<hbm>> -> memref<1x128x128xf32, #tpu.memory_space<hbm>>
        %dma_wait3A_83 = tpu.memref_squeeze %dma_wait3A_82 : memref<1x128x128xf32, #tpu.memory_space<hbm>> -> memref<128x128xf32, #tpu.memory_space<hbm>>
        %dma_wait3A_84 = arith.constant 0 : i32
        %dma_wait3A_85 = tpu.memref_slice %arg5[%arg0, %add3A_61, %dma_wait3A_84] : memref<2x10240x128xf32, #tpu.memory_space<hbm>> -> memref<1x128x128xf32, #tpu.memory_space<hbm>>
        %dma_wait3A_86 = tpu.memref_squeeze %dma_wait3A_85 : memref<1x128x128xf32, #tpu.memory_space<hbm>> -> memref<128x128xf32, #tpu.memory_space<hbm>>
        %dma_wait3A_87 = arith.constant 0 : i32
        %dma_wait3A_88 = arith.constant 0 : i32
        %dma_wait3A_89 = tpu.memref_slice %arg8[%run_scoped3A_62, %dma_wait3A_87, %dma_wait3A_88] : memref<2x128x128xf32, #tpu.memory_space<vmem>> -> memref<1x128x128xf32, #tpu.memory_space<vmem>>
        %dma_wait3A_90 = tpu.memref_squeeze %dma_wait3A_89 : memref<1x128x128xf32, #tpu.memory_space<vmem>> -> memref<128x128xf32, #tpu.memory_space<vmem>>
        tpu.wait_dma2 semaphore(%run_scoped3A_63 : memref<!tpu.dma_semaphore, #tpu.memory_space<semaphore_mem>>) src(%dma_wait3A_90 : memref<128x128xf32, #tpu.memory_space<vmem>>) dst(%dma_wait3A_86 : memref<128x128xf32, #tpu.memory_space<hbm>>)
        tpu.yield
      }) : () -> ()
    }
    %scan3A_53 = arith.constant 5 : i32
    return
  }
}

module attributes {stable_mosaic.version = 14 : i64} {
  func.func @body(%arg0: i32, %arg1: memref<2x1280x128xf32, #tpu.memory_space<vmem>>, %arg2: memref<1280x128xf32, #tpu.memory_space<vmem>>, %arg3: memref<1280x128xf32, #tpu.memory_space<vmem>>, %arg4: memref<1280x128xf32, #tpu.memory_space<vmem>>) attributes {dimension_semantics = [#tpu.dimension_semantics<arbitrary>], iteration_bounds = array<i64: 8>, scalar_prefetch = 0 : i64, scratch_operands = 0 : i64, tpu.core_type = #tpu.core_type<tc>, window_params = [{transform_indices = @transform_0, window_bounds = array<i64: 2, 1280, 128>}, {transform_indices = @transform_1, window_bounds = array<i64: 1280, 128>}, {transform_indices = @transform_2, window_bounds = array<i64: 1280, 128>}, {transform_indices = @transform_3, window_bounds = array<i64: 1280, 128>}]} {
    %get3A = arith.constant 0 : index
    %get3A_0 = arith.constant 0 : index
    %get3A_1 = arith.constant 0 : index
    %get3A_2 = vector.load %arg1[%get3A, %get3A_0, %get3A_1] : memref<2x1280x128xf32, #tpu.memory_space<vmem>>, vector<1x1280x128xf32>
    %get3A_3 = vector.shape_cast %get3A_2 : vector<1x1280x128xf32> to vector<1280x128xf32>
    %get3A_4 = arith.constant 1 : index
    %get3A_5 = arith.constant 0 : index
    %get3A_6 = arith.constant 0 : index
    %get3A_7 = vector.load %arg1[%get3A_4, %get3A_5, %get3A_6] : memref<2x1280x128xf32, #tpu.memory_space<vmem>>, vector<1x1280x128xf32>
    %get3A_8 = vector.shape_cast %get3A_7 : vector<1x1280x128xf32> to vector<1280x128xf32>
    %add3A = arith.addf %get3A_3, %get3A_8 : vector<1280x128xf32>
    %max3A = arith.constant 1.000000e+00 : f32
    %max3A_9 = vector.broadcast %max3A : f32 to vector<1280x128xf32>
    %max3A_10 = arith.maximumf %add3A, %max3A_9 : vector<1280x128xf32>
    %rsqrt3A = math.rsqrt %max3A_10 : vector<1280x128xf32>
    %swap3A = arith.constant 0 : index
    %swap3A_11 = arith.constant 0 : index
    %swap3A_12 = vector.load %arg4[%swap3A, %swap3A_11] : memref<1280x128xf32, #tpu.memory_space<vmem>>, vector<1280x128xf32>
    tpu.vector_store %arg4[%swap3A, %swap3A_11], %rsqrt3A {strides = array<i32>} : memref<1280x128xf32, #tpu.memory_space<vmem>>, vector<1280x128xf32>,
    %get3A_13 = arith.constant 0 : index
    %get3A_14 = arith.constant 0 : index
    %get3A_15 = vector.load %arg2[%get3A_13, %get3A_14] : memref<1280x128xf32, #tpu.memory_space<vmem>>, vector<1280x128xf32>
    %slice3A = vector.extract_strided_slice %rsqrt3A {offsets = [0, 0], sizes = [1280, 1], strides = [1, 1]} : vector<1280x128xf32> to vector<1280x1xf32>
    %mul3A = vector.broadcast %slice3A : vector<1280x1xf32> to vector<1280x128xf32>
    %mul3A_16 = arith.mulf %get3A_15, %mul3A : vector<1280x128xf32>
    %swap3A_17 = arith.constant 0 : index
    %swap3A_18 = arith.constant 0 : index
    %swap3A_19 = vector.load %arg3[%swap3A_17, %swap3A_18] : memref<1280x128xf32, #tpu.memory_space<vmem>>, vector<1280x128xf32>
    tpu.vector_store %arg3[%swap3A_17, %swap3A_18], %mul3A_16 {strides = array<i32>} : memref<1280x128xf32, #tpu.memory_space<vmem>>, vector<1280x128xf32>,
    return
  }
  func.func @transform_0(%arg0: i32) -> (i32, i32, i32) {
    %c0_i32 = arith.constant 0 : i32
    %c0_i32_0 = arith.constant 0 : i32
    %c0_i32_1 = arith.constant 0 : i32
    return %c0_i32, %arg0, %c0_i32_0 : i32, i32, i32
  }
  func.func @transform_1(%arg0: i32) -> (i32, i32) {
    %c0_i32 = arith.constant 0 : i32
    %c0_i32_0 = arith.constant 0 : i32
    return %arg0, %c0_i32 : i32, i32
  }
  func.func @transform_2(%arg0: i32) -> (i32, i32) {
    %c0_i32 = arith.constant 0 : i32
    %c0_i32_0 = arith.constant 0 : i32
    return %arg0, %c0_i32 : i32, i32
  }
  func.func @transform_3(%arg0: i32) -> (i32, i32) {
    %c0_i32 = arith.constant 0 : i32
    %c0_i32_0 = arith.constant 0 : i32
    return %arg0, %c0_i32 : i32, i32
  }
}

module attributes {stable_mosaic.version = 14 : i64} {
  func.func @body(%arg0: i32, %arg1: memref<2x1280x128xf32, #tpu.memory_space<vmem>>, %arg2: memref<1280x128xf32, #tpu.memory_space<vmem>>, %arg3: memref<128x128xf32, #tpu.memory_space<vmem>>, %arg4: memref<1x128xf32, #tpu.memory_space<vmem>>, %arg5: memref<1280x128xf32, #tpu.memory_space<vmem>>) attributes {dimension_semantics = [#tpu.dimension_semantics<arbitrary>], iteration_bounds = array<i64: 8>, scalar_prefetch = 0 : i64, scratch_operands = 0 : i64, tpu.core_type = #tpu.core_type<tc>, window_params = [{transform_indices = @transform_0, window_bounds = array<i64: 2, 1280, 128>}, {transform_indices = @transform_1, window_bounds = array<i64: 1280, 128>}, {pipeline_mode = #tpu.pipeline_mode<synchronous>, transform_indices = @transform_2, window_bounds = array<i64: 128, 128>}, {pipeline_mode = #tpu.pipeline_mode<synchronous>, transform_indices = @transform_3, window_bounds = array<i64: 1, 128>}, {transform_indices = @transform_4, window_bounds = array<i64: 1280, 128>}]} {
    %get3A = arith.constant 0 : index
    %get3A_0 = arith.constant 0 : index
    %get3A_1 = arith.constant 0 : index
    %get3A_2 = vector.load %arg1[%get3A, %get3A_0, %get3A_1] : memref<2x1280x128xf32, #tpu.memory_space<vmem>>, vector<1x1280x128xf32>
    %get3A_3 = vector.shape_cast %get3A_2 : vector<1x1280x128xf32> to vector<1280x128xf32>
    %get3A_4 = arith.constant 1 : index
    %get3A_5 = arith.constant 0 : index
    %get3A_6 = arith.constant 0 : index
    %get3A_7 = vector.load %arg1[%get3A_4, %get3A_5, %get3A_6] : memref<2x1280x128xf32, #tpu.memory_space<vmem>>, vector<1x1280x128xf32>
    %get3A_8 = vector.shape_cast %get3A_7 : vector<1x1280x128xf32> to vector<1280x128xf32>
    %add3A = arith.addf %get3A_3, %get3A_8 : vector<1280x128xf32>
    %get3A_9 = arith.constant 0 : index
    %get3A_10 = arith.constant 1 : index
    %get3A_11 = vector.load %arg2[%get3A_9, %get3A_10] : memref<1280x128xf32, #tpu.memory_space<vmem>>, vector<1280x1xf32>
    %mul3A = vector.broadcast %get3A_11 : vector<1280x1xf32> to vector<1280x128xf32>
    %mul3A_12 = arith.mulf %add3A, %mul3A : vector<1280x128xf32>
    %get3A_13 = arith.constant 0 : index
    %get3A_14 = arith.constant 0 : index
    %get3A_15 = vector.load %arg3[%get3A_13, %get3A_14] : memref<128x128xf32, #tpu.memory_space<vmem>>, vector<128x128xf32>
    %dot_general3A = arith.constant dense<0.000000e+00> : vector<1280x128xf32>
    %dot_general3A_16 = tpu.matmul %mul3A_12, %get3A_15, %dot_general3A {dimension_numbers = #tpu.dot_dimension_numbers<[1], [0], [0], [1], [0, 0, 1, 1], [], []>, transpose_lhs_hint = false} : vector<1280x128xf32>, vector<128x128xf32>, vector<1280x128xf32> -> vector<1280x128xf32>
    %get3A_17 = arith.constant 0 : index
    %get3A_18 = arith.constant 0 : index
    %get3A_19 = vector.load %arg4[%get3A_17, %get3A_18] : memref<1x128xf32, #tpu.memory_space<vmem>>, vector<1x128xf32>
    %add3A_20 = vector.broadcast %get3A_19 : vector<1x128xf32> to vector<1280x128xf32>
    %add3A_21 = arith.addf %dot_general3A_16, %add3A_20 : vector<1280x128xf32>
    %max3A = arith.constant 0.000000e+00 : f32
    %max3A_22 = vector.broadcast %max3A : f32 to vector<1280x128xf32>
    %max3A_23 = arith.maximumf %add3A_21, %max3A_22 : vector<1280x128xf32>
    %iota3A = tpu.iota {dimensions = array<i32: 0>} : vector<1280x128xi32>
    %mul3A_24 = arith.constant 1280 : i32
    %mul3A_25 = arith.muli %arg0, %mul3A_24 : i32
    %add3A_26 = vector.broadcast %mul3A_25 : i32 to vector<1280x128xi32>
    %add3A_27 = arith.addi %iota3A, %add3A_26 : vector<1280x128xi32>
    %lt3A = arith.constant 10000 : i32
    %lt3A_28 = vector.broadcast %lt3A : i32 to vector<1280x128xi32>
    %lt3A_29 = arith.cmpi slt, %add3A_27, %lt3A_28 : vector<1280x128xi32>
    %jit3A = arith.constant 0.000000e+00 : f32
    %broadcast_in_dim3A = vector.broadcast %jit3A : f32 to vector<1280x128xf32>
    %select_n3A = arith.select %lt3A_29, %max3A_23, %broadcast_in_dim3A : vector<1280x128xi1>, vector<1280x128xf32>
    %get3A_30 = arith.constant 0 : index
    %get3A_31 = arith.constant 0 : index
    %get3A_32 = vector.load %arg2[%get3A_30, %get3A_31] : memref<1280x128xf32, #tpu.memory_space<vmem>>, vector<1280x1xf32>
    %mul3A_33 = vector.broadcast %get3A_32 : vector<1280x1xf32> to vector<1280x128xf32>
    %mul3A_34 = arith.mulf %select_n3A, %mul3A_33 : vector<1280x128xf32>
    %swap3A = arith.constant 0 : index
    %swap3A_35 = arith.constant 0 : index
    %swap3A_36 = vector.load %arg5[%swap3A, %swap3A_35] : memref<1280x128xf32, #tpu.memory_space<vmem>>, vector<1280x128xf32>
    tpu.vector_store %arg5[%swap3A, %swap3A_35], %mul3A_34 {strides = array<i32>} : memref<1280x128xf32, #tpu.memory_space<vmem>>, vector<1280x128xf32>,
    return
  }
  func.func @transform_0(%arg0: i32) -> (i32, i32, i32) {
    %c0_i32 = arith.constant 0 : i32
    %c0_i32_0 = arith.constant 0 : i32
    %c0_i32_1 = arith.constant 0 : i32
    return %c0_i32, %arg0, %c0_i32_0 : i32, i32, i32
  }
  func.func @transform_1(%arg0: i32) -> (i32, i32) {
    %c0_i32 = arith.constant 0 : i32
    %c0_i32_0 = arith.constant 0 : i32
    return %arg0, %c0_i32 : i32, i32
  }
  func.func @transform_2(%arg0: i32) -> (i32, i32) {
    %c0_i32 = arith.constant 0 : i32
    %c0_i32_0 = arith.constant 0 : i32
    %c0_i32_1 = arith.constant 0 : i32
    return %c0_i32, %c0_i32_0 : i32, i32
  }
  func.func @transform_3(%arg0: i32) -> (i32, i32) {
    %c0_i32 = arith.constant 0 : i32
    %c0_i32_0 = arith.constant 0 : i32
    %c0_i32_1 = arith.constant 0 : i32
    return %c0_i32, %c0_i32_0 : i32, i32
  }
  func.func @transform_4(%arg0: i32) -> (i32, i32) {
    %c0_i32 = arith.constant 0 : i32
    %c0_i32_0 = arith.constant 0 : i32
    return %arg0, %c0_i32 : i32, i32
  }
}

module attributes {stable_mosaic.version = 14 : i64} {
  func.func @body(%arg0: i32, %arg1: memref<2x1280x128xf32, #tpu.memory_space<vmem>>, %arg2: memref<1280x128xf32, #tpu.memory_space<vmem>>, %arg3: memref<128x128xf32, #tpu.memory_space<vmem>>, %arg4: memref<1x128xf32, #tpu.memory_space<vmem>>, %arg5: memref<1x128xf32, #tpu.memory_space<vmem>>, %arg6: memref<1x1xf32, #tpu.memory_space<vmem>>, %arg7: memref<1x1xf32, #tpu.memory_space<vmem>>, %arg8: memref<1x128xf32, #tpu.memory_space<vmem>>) attributes {dimension_semantics = [#tpu.dimension_semantics<arbitrary>], iteration_bounds = array<i64: 8>, scalar_prefetch = 0 : i64, scratch_operands = 1 : i64, tpu.core_type = #tpu.core_type<tc>, window_params = [{transform_indices = @transform_0, window_bounds = array<i64: 2, 1280, 128>}, {transform_indices = @transform_1, window_bounds = array<i64: 1280, 128>}, {pipeline_mode = #tpu.pipeline_mode<synchronous>, transform_indices = @transform_2, window_bounds = array<i64: 128, 128>}, {pipeline_mode = #tpu.pipeline_mode<synchronous>, transform_indices = @transform_3, window_bounds = array<i64: 1, 128>}, {pipeline_mode = #tpu.pipeline_mode<synchronous>, transform_indices = @transform_4, window_bounds = array<i64: 1, 128>}, {pipeline_mode = #tpu.pipeline_mode<synchronous>, transform_indices = @transform_5, window_bounds = array<i64: 1, 1>}, {pipeline_mode = #tpu.pipeline_mode<synchronous>, transform_indices = @transform_6, window_bounds = array<i64: 1, 1>}]} {
    %eq3A = arith.constant 0 : i32
    %eq3A_0 = arith.cmpi eq, %arg0, %eq3A : i32
    %convert_element_type3A = arith.extui %eq3A_0 : i1 to i32
    %cond3A = arith.constant 0 : i32
    %cond3A_1 = arith.cmpi ne, %convert_element_type3A, %cond3A : i32
    scf.if %cond3A_1 {
      %broadcast_in_dim3A_45 = arith.constant 0.000000e+00 : f32
      %broadcast_in_dim3A_46 = vector.broadcast %broadcast_in_dim3A_45 : f32 to vector<1x128xf32>
      %swap3A_47 = arith.constant 0 : index
      %swap3A_48 = arith.constant 0 : index
      %swap3A_49 = vector.load %arg8[%swap3A_47, %swap3A_48] : memref<1x128xf32, #tpu.memory_space<vmem>>, vector<1x128xf32>
      tpu.vector_store %arg8[%swap3A_47, %swap3A_48], %broadcast_in_dim3A_46 {strides = array<i32>} : memref<1x128xf32, #tpu.memory_space<vmem>>, vector<1x128xf32>,
    } else {
    }
    %get3A = arith.constant 0 : index
    %get3A_2 = arith.constant 0 : index
    %get3A_3 = arith.constant 0 : index
    %get3A_4 = vector.load %arg1[%get3A, %get3A_2, %get3A_3] : memref<2x1280x128xf32, #tpu.memory_space<vmem>>, vector<1x1280x128xf32>
    %get3A_5 = vector.shape_cast %get3A_4 : vector<1x1280x128xf32> to vector<1280x128xf32>
    %get3A_6 = arith.constant 1 : index
    %get3A_7 = arith.constant 0 : index
    %get3A_8 = arith.constant 0 : index
    %get3A_9 = vector.load %arg1[%get3A_6, %get3A_7, %get3A_8] : memref<2x1280x128xf32, #tpu.memory_space<vmem>>, vector<1x1280x128xf32>
    %get3A_10 = vector.shape_cast %get3A_9 : vector<1x1280x128xf32> to vector<1280x128xf32>
    %add3A = arith.addf %get3A_5, %get3A_10 : vector<1280x128xf32>
    %get3A_11 = arith.constant 0 : index
    %get3A_12 = arith.constant 1 : index
    %get3A_13 = vector.load %arg2[%get3A_11, %get3A_12] : memref<1280x128xf32, #tpu.memory_space<vmem>>, vector<1280x1xf32>
    %mul3A = vector.broadcast %get3A_13 : vector<1280x1xf32> to vector<1280x128xf32>
    %mul3A_14 = arith.mulf %add3A, %mul3A : vector<1280x128xf32>
    %get3A_15 = arith.constant 0 : index
    %get3A_16 = arith.constant 0 : index
    %get3A_17 = vector.load %arg3[%get3A_15, %get3A_16] : memref<128x128xf32, #tpu.memory_space<vmem>>, vector<128x128xf32>
    %dot_general3A = arith.constant dense<0.000000e+00> : vector<1280x128xf32>
    %dot_general3A_18 = tpu.matmul %mul3A_14, %get3A_17, %dot_general3A {dimension_numbers = #tpu.dot_dimension_numbers<[1], [0], [0], [1], [0, 0, 1, 1], [], []>, transpose_lhs_hint = false} : vector<1280x128xf32>, vector<128x128xf32>, vector<1280x128xf32> -> vector<1280x128xf32>
    %get3A_19 = arith.constant 0 : index
    %get3A_20 = arith.constant 0 : index
    %get3A_21 = vector.load %arg4[%get3A_19, %get3A_20] : memref<1x128xf32, #tpu.memory_space<vmem>>, vector<1x128xf32>
    %add3A_22 = vector.broadcast %get3A_21 : vector<1x128xf32> to vector<1280x128xf32>
    %add3A_23 = arith.addf %dot_general3A_18, %add3A_22 : vector<1280x128xf32>
    %max3A = arith.constant 0.000000e+00 : f32
    %max3A_24 = vector.broadcast %max3A : f32 to vector<1280x128xf32>
    %max3A_25 = arith.maximumf %add3A_23, %max3A_24 : vector<1280x128xf32>
    %iota3A = tpu.iota {dimensions = array<i32: 0>} : vector<1280x128xi32>
    %mul3A_26 = arith.constant 1280 : i32
    %mul3A_27 = arith.muli %arg0, %mul3A_26 : i32
    %add3A_28 = vector.broadcast %mul3A_27 : i32 to vector<1280x128xi32>
    %add3A_29 = arith.addi %iota3A, %add3A_28 : vector<1280x128xi32>
    %lt3A = arith.constant 10000 : i32
    %lt3A_30 = vector.broadcast %lt3A : i32 to vector<1280x128xi32>
    %lt3A_31 = arith.cmpi slt, %add3A_29, %lt3A_30 : vector<1280x128xi32>
    %jit3A = arith.constant 0.000000e+00 : f32
    %broadcast_in_dim3A = vector.broadcast %jit3A : f32 to vector<1280x128xf32>
    %select_n3A = arith.select %lt3A_31, %max3A_25, %broadcast_in_dim3A : vector<1280x128xi1>, vector<1280x128xf32>
    %get3A_32 = arith.constant 0 : index
    %get3A_33 = arith.constant 0 : index
    %get3A_34 = vector.load %arg8[%get3A_32, %get3A_33] : memref<1x128xf32, #tpu.memory_space<vmem>>, vector<1x128xf32>
    %reduce_sum3A = arith.constant dense<0.000000e+00> : vector<128xf32>
    %reduce_sum3A_35 = vector.multi_reduction <add>, %select_n3A, %reduce_sum3A [0] : vector<1280x128xf32> to vector<128xf32>
    %broadcast_in_dim3A_36 = vector.shape_cast %reduce_sum3A_35 : vector<128xf32> to vector<1x128xf32>
    %add3A_37 = arith.addf %get3A_34, %broadcast_in_dim3A_36 : vector<1x128xf32>
    %swap3A = arith.constant 0 : index
    %swap3A_38 = arith.constant 0 : index
    %swap3A_39 = vector.load %arg8[%swap3A, %swap3A_38] : memref<1x128xf32, #tpu.memory_space<vmem>>, vector<1x128xf32>
    tpu.vector_store %arg8[%swap3A, %swap3A_38], %add3A_37 {strides = array<i32>} : memref<1x128xf32, #tpu.memory_space<vmem>>, vector<1x128xf32>,
    %eq3A_40 = arith.constant 7 : i32
    %eq3A_41 = arith.cmpi eq, %arg0, %eq3A_40 : i32
    %convert_element_type3A_42 = arith.extui %eq3A_41 : i1 to i32
    %cond3A_43 = arith.constant 0 : i32
    %cond3A_44 = arith.cmpi ne, %convert_element_type3A_42, %cond3A_43 : i32
    scf.if %cond3A_44 {
      %get3A_45 = arith.constant 0 : index
      %get3A_46 = arith.constant 0 : index
      %get3A_47 = vector.load %arg8[%get3A_45, %get3A_46] : memref<1x128xf32, #tpu.memory_space<vmem>>, vector<1x128xf32>
      %mul3A_48 = arith.constant 9.99999974E-5 : f32
      %mul3A_49 = vector.broadcast %mul3A_48 : f32 to vector<1x128xf32>
      %mul3A_50 = arith.mulf %get3A_47, %mul3A_49 : vector<1x128xf32>
      %get3A_51 = arith.constant 0 : index
      %get3A_52 = arith.constant 0 : index
      %get3A_53 = vector.load %arg5[%get3A_51, %get3A_52] : memref<1x128xf32, #tpu.memory_space<vmem>>, vector<1x128xf32>
      %mul3A_54 = arith.mulf %mul3A_50, %get3A_53 : vector<1x128xf32>
      %reduce_sum3A_55 = arith.constant dense<0.000000e+00> : vector<1xf32>
      %reduce_sum3A_56 = vector.multi_reduction <add>, %mul3A_54, %reduce_sum3A_55 [1] : vector<1x128xf32> to vector<1xf32>
      %broadcast_in_dim3A_57 = vector.shape_cast %reduce_sum3A_56 : vector<1xf32> to vector<1x1xf32>
      %get3A_58 = arith.constant 0 : index
      %get3A_59 = arith.constant 0 : index
      %get3A_60 = vector.load %arg6[%get3A_58, %get3A_59] : memref<1x1xf32, #tpu.memory_space<vmem>>, vector<1x1xf32>
      %add3A_61 = arith.addf %broadcast_in_dim3A_57, %get3A_60 : vector<1x1xf32>
      %swap3A_62 = arith.constant 0 : index
      %swap3A_63 = arith.constant 0 : index
      %swap3A_64 = vector.load %arg7[%swap3A_62, %swap3A_63] : memref<1x1xf32, #tpu.memory_space<vmem>>, vector<1x1xf32>
      tpu.vector_store %arg7[%swap3A_62, %swap3A_63], %add3A_61 {strides = array<i32>} : memref<1x1xf32, #tpu.memory_space<vmem>>, vector<1x1xf32>,
    } else {
    }
    return
  }
  func.func @transform_0(%arg0: i32) -> (i32, i32, i32) {
    %c0_i32 = arith.constant 0 : i32
    %c0_i32_0 = arith.constant 0 : i32
    %c0_i32_1 = arith.constant 0 : i32
    return %c0_i32, %arg0, %c0_i32_0 : i32, i32, i32
  }
  func.func @transform_1(%arg0: i32) -> (i32, i32) {
    %c0_i32 = arith.constant 0 : i32
    %c0_i32_0 = arith.constant 0 : i32
    return %arg0, %c0_i32 : i32, i32
  }
  func.func @transform_2(%arg0: i32) -> (i32, i32) {
    %c0_i32 = arith.constant 0 : i32
    %c0_i32_0 = arith.constant 0 : i32
    %c0_i32_1 = arith.constant 0 : i32
    return %c0_i32, %c0_i32_0 : i32, i32
  }
  func.func @transform_3(%arg0: i32) -> (i32, i32) {
    %c0_i32 = arith.constant 0 : i32
    %c0_i32_0 = arith.constant 0 : i32
    %c0_i32_1 = arith.constant 0 : i32
    return %c0_i32, %c0_i32_0 : i32, i32
  }
  func.func @transform_4(%arg0: i32) -> (i32, i32) {
    %c0_i32 = arith.constant 0 : i32
    %c0_i32_0 = arith.constant 0 : i32
    %c0_i32_1 = arith.constant 0 : i32
    return %c0_i32, %c0_i32_0 : i32, i32
  }
  func.func @transform_5(%arg0: i32) -> (i32, i32) {
    %c0_i32 = arith.constant 0 : i32
    %c0_i32_0 = arith.constant 0 : i32
    %c0_i32_1 = arith.constant 0 : i32
    return %c0_i32, %c0_i32_0 : i32, i32
  }
  func.func @transform_6(%arg0: i32) -> (i32, i32) {
    %c0_i32 = arith.constant 0 : i32
    %c0_i32_0 = arith.constant 0 : i32
    %c0_i32_1 = arith.constant 0 : i32
    return %c0_i32, %c0_i32_0 : i32, i32
  }
}

</mosaic_0001>

<sc_bundles>
// kernel: kernel.11.cloned.1.call-start
scs
__scs_entry_jumppad:
0x0: {  	(pc) =	sbr.rel $0x88, $3  }
0x1: {  	(tag) =	ssettag $0x0;
	lr =	simm.s32 $0x1  }
0x2: {  	[smem:$0x3F99] =	sst lr;
	_ =	strace $0xD0000000  }
0x3: {  	_ = 	snop  }
0x4: {  	_ = 	snop  }
0x5: {  	_ = 	snop  }
0x6: {  	_ = 	snop  }
0x7: {  	_ = 	snop  }
__scs_overlays_trampoline_lowered:
0x8: {  	[smem:$0x3FA8] =	sst s0  }
0x9: {  	[smem:$0x3FA9] =	sst s1  }
0xa: {  	[smem:$0x3FAA] =	sst s2  }
0xb: {  	[smem:$0x3FAB] =	sst s3  }
0xc: {  	[smem:$0x3FAC] =	sst s4  }
0xd: {  	[smem:$0x3FAD] =	sst s5  }
0xe: {  	[smem:$0x3FAE] =	sst s6  }
0xf: {  	[smem:$0x3FAF] =	sst s7  }
0x10: {  	[smem:$0x3FB0] =	sst s8  }
0x11: {  	[smem:$0x3FB1] =	sst s9;
	s0 =	simm.s32 @!p0 $0x0  }
0x12: {  	s1 =	sld [smem:$0x3F97];
	s0 =	simm.s32 @p0 $0x1  }
0x13: {  	[smem:$0x3FB2] =	sst s0;
	s0 =	simm.s32 @!p1 $0x0  }
0x14: {  	s2 =	sld [smem:$0x3F96];
	s0 =	simm.s32 @p1 $0x1  }
0x15: {  	[smem:$0x3FB3] =	sst s0;
	s0 =	simm.s32 @!p2 $0x0  }
0x16: {  	s3 =	sld [smem:$0x3FDB];
	s0 =	simm.s32 @p2 $0x1  }
0x17: {  	s4 =	simm.s32 $0x1BF5;
	[smem:$0x3FB5] =	sst s0  }
0x18: {  	s0 =	sld [smem:$0x3F98];
	_ =	swait.ge [sflag:s4], $0x0  }
0x19: {  	s7 =	sld [smem:$0x3F99]  }
0x1a: {  	s8 =	sadd.s32 $0xFFFFE003, lr  }
0x1b: {  	s9 =	sadd.s32 $0xFFFFFEF7, lr;
	s5 =	simm.s32 $0xFFFFFFFF;
	p2 =	slt.u32 s8, $0xFFFFF086  }
0x1c: {  	p1 =	slt.u32 s9, $0xF7A;
	s5 =	simm.s32 @!p2 $0x0  }
0x1d: {  	s5 =	simm.s32 @p1 $0x1;
	p0 =	seq.s32 s7, s2  }
0x1e: {  	s7 =	smul.u32 @!p0 $0xF7A, s2;
	p2 =	seq.s32 @!p0 s5, $0x0  }
0x1f: {  	s9 =	smul.u32 $0xF7A, s1;
	s8 =	simm.s32 @!p0 $0x1BF5;
	p2 =	por !p2, p0  }
0x20: {  	[sflag:s8] =	ssyncset.s32 @!p0 $0xFFFFF086;
	s6 =	sadd.s32 @!p0 s3, s7;
	s7 =	simm.s32 @!p0 $0x108  }
0x21: {  	s3 =	sadd.s32 s3, s9;
	s6 =	sadd.s32 @!p0 $0x88, s6;
	s7 =	simm.s32 @p2 $0x1082  }
0x22: {  	[simem:s7], [sflag:s8] =	dma.local @!p0 [hbm:s6], $0xF7A  }
0x23: {  	s9 =	sor.u32 $0xD0000000, s2;
	s6 =	simm.s32 $0x108;
	_ =	swait.ge @!p0 [sflag:s8], $0x0  }
0x24: {  	s3 =	sadd.s32 $0x88, s3;
	s6 =	simm.s32 @!p1 $0x1082;
	[sflag:s4] =	ssyncset.s32 $0xFFFFF086  }
0x25: {  	[simem:s6], [sflag:s4] =	dma.local [hbm:s3], $0xF7A  }
0x26: {  	[smem:$0x3F99] =	sst s1;
	(tag) =	ssettag s2;
	_ =	strace s9  }
0x27: {  	s1 =	sld [smem:$0x3FA9]  }
0x28: {  	s2 =	sld [smem:$0x3FAA]  }
0x29: {  	s4 =	sld [smem:$0x3FAC]  }
0x2a: {  	p0 =	seq.s32 s5, $0x0;
	s5 =	sld [smem:$0x3FAD]  }
0x2b: {  	s6 =	sld [smem:$0x3FAE]  }
0x2c: {  	s7 =	sld [smem:$0x3FAF]  }
0x2d: {  	s3 =	simm.s32 $0x108;
	s8 =	sld [smem:$0x3FB0]  }
0x2e: {  	s3 =	simm.s32 @!p0 $0x1082;
	s9 =	sld [smem:$0x3FB1]  }
0x2f: {  	lr =	sadd.s32 s0, s3;
	s0 =	sld [smem:$0x3FA8]  }
0x30: {  	s3 =	sld [smem:$0x3FAB]  }
0x31: {  	[smem:$0x3FB4] =	sst s10  }
0x32: {  	s10 =	sld [smem:$0x3FB2];
	_ =	sdelay $0x3  }
0x33: {  	p0 =	seq.s32 s10, $0x1;
	s10 =	sld [smem:$0x3FB4];
	_ =	sdelay $0x3  }
0x34: {  	[smem:$0x3FB4] =	sst s10  }
0x35: {  	s10 =	sld [smem:$0x3FB3];
	_ =	sdelay $0x3  }
0x36: {  	p1 =	seq.s32 s10, $0x1;
	s10 =	sld [smem:$0x3FB4];
	_ =	sdelay $0x3  }
0x37: {  	[smem:$0x3FB4] =	sst s10  }
0x38: {  	s10 =	sld [smem:$0x3FB5]  }
0x39: {  	_ = 	snop;
	(pc) =	sbr.ind lr, $3  }
0x3a: {  	_ = 	snop  }
0x3b: {  	_ = 	snop  }
0x3c: {  	p2 =	seq.s32 s10, $0x1;
	s10 =	sld [smem:$0x3FB4]  }
0x3d: {  	_ =	shalt  }
0x3e: {  	_ =	shalt  }
0x3f: {  	_ =	shalt  }
0x40: {  	_ =	shalt  }
0x41: {  	_ =	shalt  }
0x42: {  	_ =	shalt  }
0x43: {  	_ =	shalt  }
0x44: {  	_ =	shalt  }
0x45: {  	_ =	shalt  }
0x46: {  	_ =	shalt  }
0x47: {  	_ =	shalt  }
0x48: {  	_ =	shalt  }
0x49: {  	_ =	shalt  }
0x4a: {  	_ =	shalt  }
0x4b: {  	_ =	shalt  }
0x4c: {  	_ =	shalt  }
0x4d: {  	_ =	shalt  }
0x4e: {  	_ =	shalt  }
0x4f: {  	_ =	shalt  }
0x50: {  	_ =	shalt  }
0x51: {  	_ =	shalt  }
0x52: {  	_ =	shalt  }
0x53: {  	_ =	shalt  }
0x54: {  	_ =	shalt  }
0x55: {  	_ =	shalt  }
0x56: {  	_ =	shalt  }
0x57: {  	_ =	shalt  }
0x58: {  	_ =	shalt  }
0x59: {  	_ =	shalt  }
0x5a: {  	_ =	shalt  }
0x5b: {  	_ =	shalt  }
0x5c: {  	_ =	shalt  }
0x5d: {  	_ =	shalt  }
0x5e: {  	_ =	shalt  }
0x5f: {  	_ =	shalt  }
0x60: {  	_ =	shalt  }
0x61: {  	_ =	shalt  }
0x62: {  	_ =	shalt  }
0x63: {  	_ =	shalt  }
0x64: {  	_ =	shalt  }
0x65: {  	_ =	shalt  }
0x66: {  	_ =	shalt  }
0x67: {  	_ =	shalt  }
0x68: {  	_ =	shalt  }
0x69: {  	_ =	shalt  }
0x6a: {  	_ =	shalt  }
0x6b: {  	_ =	shalt  }
0x6c: {  	_ =	shalt  }
0x6d: {  	_ =	shalt  }
0x6e: {  	_ =	shalt  }
0x6f: {  	_ =	shalt  }
0x70: {  	_ =	shalt  }
0x71: {  	_ =	shalt  }
0x72: {  	_ =	shalt  }
0x73: {  	_ =	shalt  }
0x74: {  	_ =	shalt  }
0x75: {  	_ =	shalt  }
0x76: {  	_ =	shalt  }
0x77: {  	_ =	shalt  }
0x78: {  	_ =	shalt  }
0x79: {  	_ =	shalt  }
0x7a: {  	_ =	shalt  }
0x7b: {  	_ =	shalt  }
0x7c: {  	_ =	shalt  }
0x7d: {  	_ =	shalt  }
0x7e: {  	_ =	shalt  }
0x7f: {  	_ =	shalt  }
0x80: {  	_ =	shalt  }
0x81: {  	_ =	shalt  }
0x82: {  	_ =	shalt  }
0x83: {  	_ =	shalt  }
0x84: {  	_ =	shalt  }
0x85: {  	_ =	shalt  }
0x86: {  	_ =	shalt  }
0x87: {  	_ =	shalt  }
.Lfunc_end0:
.L_simem_size_0:
called_computation.1_lowered:
.L_overlay_start_0:
0x88: {  	s2 =	sld [smem:$0x3FD9]  }
0x89: {  	s3 =	sld [smem:$0x3FFE];
	_ =	sdelay $0x1  }
0x8a: {  	s1 =	srdreg.scid  }
0x8b: {  	s0 =	sand.u32 $0x1, s1  }
0x8c: {  	s16 =	sshll.u32 s0, $0xA;
	s2 =	sadd.s32 s3, s2  }
0x8d: {  	s2 =	sadd.s32 s2, s16  }
0x8e: {  	[smem:$0x3FC0] =	sst s2  }
0x8f: {  	_ = 	snop  }
0x90: {  	(tm) =	ssettm $0x1  }
0x91: {  	s17 =	sld [smem:$0x3FFB];
	_ =	sdelay $0x3  }
0x92: {  	_ =	strace s17  }
0x93: {  	s2 =	sld [smem:$0x3FFC];
	_ =	sdelay $0x3  }
0x94: {  	_ =	strace s2  }
0x95: {  	s2 =	sld [smem:$0x3FFD];
	_ =	sdelay $0x3  }
0x96: {  	_ =	strace s2  }
0x97: {  	_ =	strace $0x8FFFFFFF  }
0x98: {  	s18 =	sld [smem:$0x3FDB];
	_ =	sdelay $0x1  }
0x99: {  	s19 =	simm.s32 $_scs_section_size  }
0x9a: {  	s4 =	simm.s32 $_size__tile_overlayer_lowered;
	s5 =	simm.s32 $_tile_overlayer_lowered  }
0x9b: {  	s22 =	simm.s32 $0x1BFF;
	s21 =	sshll.u32 s5, $0x1;
	s2 =	sadd.s32 s19, s18  }
0x9c: {  	s6 =	simm.s32 $0x0;
	s20 =	sshll.u32 s4, $0x1;
	s4 =	sadd.s32 s21, s2  }
0x9d: {  	[timem:s6], [sflag:s22] =	dma.local [hbm:s4], s20  }
0x9e: {  	_ =	swait.ge [sflag:s22], s20  }
0x9f: {  	s3 =	ssub.s32 $0x0, s20;
	[sflag:s22] =	ssyncset.done $0x0  }
0xa0: {  	[sflag:s22] =	ssyncadd.s32 s3;
	_ =	sdelay $0x1  }
0xa1: {  	s23 =	simm.s32 $0x1B8B  }
0xa2: {  	_ =	swait.ge [sflag:s23], $0x1  }
0xa3: {  	[sflag:s23] =	ssyncset.done $0x0  }
0xa4: {  	s25 =	simm.s32 $0x1B8E;
	s24 =	sld [smem:$0x3FFE];
	[sflag:s23] =	ssyncadd.s32 $0xFFFFFFFF  }
0xa5: {  	s26 =	simm.s32 $execute0_lowered;
	[smem:$0x3FD2] =	sst s25  }
0xa6: {  	s4 =	sshll.u32 s26, $0x1;
	_ =	strace $0x80000049;
	[dreg:$0x1] =	wrdreg $0xFFFFFFFF  }
0xa7: {  	s28 =	simm.s32 $_size_execute0_lowered;
	s2 =	sadd.s32 s2, s4;
	[dreg:$0x0] =	wrdreg $0x0  }
0xa8: {  	s4 =	sshll.u32 s28, $0x1;
	[dreg:$0x2] =	wrdreg s2  }
0xa9: {  	[dreg:$0x3] =	wrdreg s4  }
0xaa: {  	[dreg:$0x4] =	wrdreg $0xC0  }
0xab: {  	_ =	task [dreg:s6], $0x5FFFF  }
0xac: {  	[dreg:$0x1] =	wrdreg $0xFFFFFFFF  }
0xad: {  	[dreg:$0x0] =	wrdreg $0x60  }
0xae: {  	[dreg:$0x2] =	wrdreg s24  }
0xaf: {  	[dreg:$0x3] =	wrdreg $0xA9000  }
0xb0: {  	[dreg:$0x4] =	wrdreg $0x9  }
0xb1: {  	_ =	task.clear_ibuf [dreg:s6], $0x5FFFF;
	_ =	strace $0x90000049  }
0xb2: {  	s29 =	simm.s32 $0x9;
	_ =	strace $0x8000004B  }
0xb3: {  	_ =	swait.ge [sflag:s29], $0x1  }
0xb4: {  	[sflag:s29] =	ssyncadd.s32 $0xFFFFFFFF  }
0xb5: {  	_ =	strace $0x9000004B  }
0xb6: {  	_ =	sfence  }
0xb7: {  	s30 =	sld [smem:$0x0];
	_ =	sdelay $0x2  }
0xb8: {  	s31 =	sshll.u32 s1, $0xD;
	s1 =	sshrl.u32 s1, $0x2  }
0xb9: {  	s3 =	sand.u32 $0x4000, s31;
	s1 =	sadd.s32 s1, s30  }
0xba: {  	s0 =	sor.u32 s3, s0;
	s1 =	sshll.u32 s1, $0x11  }
0xbb: {  	s0 =	sor.u32 s1, s0  }
0xbc: {  	s0 =	sadd.s32 $0x8F2B, s0  }
0xbd: {  	[sflag:s0] =	ssyncadd.remote.s32 $0x1  }
0xbe: {  	_ =	sfence.sel $0xFFFF  }
0xbf: {  	[dreg:$0x0] =	wrdreg $0xFFFFFFFF;
	(pc) =	sbr.abs _section_cstart, $3  }
0xc0: {  	[dreg:$0x1] =	wrdreg $0xFFFFFFFF  }
0xc1: {  	_ =	task.clear_ibuf [dreg:s6], $0x2FFFF;
	_ =	strace $0x9FFFFFFF  }
0xc2: {  	(tm) =	ssettm $0x7FFFFFFF  }
0xc3: {  	_ =	shalt  }
tec
execute0_lowered:
.L_overlay_start_1:
0x0: {  	(tag) =	ssettag $0x1  }
0x1: {  	s0 =	rddreg [dreg:$0x0]  }
0x2: {  	s2 =	rddreg [dreg:$0x1];
	s1 =	srdreg.scid  }
0x3: {  	s11 =	stileid.u32;
	s3 =	simm.s32 $0x0;
	s28 =	simm.s32 $0x2800  }
0x4: {  	s29 =	simm.s32 $0x80;
	s30 =	simm.s32 $0x1;
	s31 =	simm.s32 $0x3  }
0x5: {  	s1 =	sand.u32 $0x1, s1;
	s4 =	sshll.u32 s11, $0x1;
	s10 =	smul.u32 $0x50000, s11  }
0x6: {  	[smem:$0x7FF] =	sst s3;
	s7 =	sadd.s32 $0x17800, s0;
	s14 =	smul.u32 $0x14000, s11  }
0x7: {  	s5 =	sor.u32 s1, s4;
	_ =	strace $0x8000004A;
	s4 =	sadd.s32 $0x18000, s0  }
0x8: {  	[dreg:$0x3] =	wrdreg s7;
	s26 =	ssub.s32 $0x2, s1;
	s1 =	smul.u32 $0x140000, s1  }
0x9: {  	s6 =	smul.u32 $0x2800, s5;
	s5 =	sadd.s32 $0x2800, s0;
	s8 =	sshrl.u32 s26, $0x1  }
0xa: {  	s0 =	sadd.s32 $0x40000, s0;
	s13 =	sshrl.u32 s10, $0x2;
	s19 =	sadd.s32 $0x4000, s14  }
0xb: {  	s23 =	sadd.s32 $0x8000, s14;
	s24 =	sadd.s32 $0xC000, s14;
	s10 =	sadd.s32 $0x10000, s14  }
0xc: {  	s7 =	ssub.s32 s26, s8;
	s18 =	sadd.s32 s1, s14;
	s21 =	sadd.s32 s1, s19  }
0xd: {  	s9 =	sshrl.u32 s6, $0x3;
	s8 =	sadd.s32 $0x50000, s6;
	s15 =	smax.u32 s7, $0x1  }
0xe: {  	s12 =	sadd.s32 s5, s9;
	s6 =	sshrl.u32 s8, $0x3;
	[dreg:$0x6] =	wrdreg s15  }
0xf: {  	s9 =	sadd.s32 s13, s2;
	[dreg:$0x4] =	wrdreg s12;
	s6 =	sadd.s32 s5, s6  }
0x10: {  	s25 =	sadd.s32 s1, s24;
	s16 =	sadd.s32 $0x4000, s9;
	[dreg:$0x5] =	wrdreg s6  }
0x11: {  	s22 =	sshrl.u32 s21, $0x3;
	s17 =	sadd.s32 $0x8000, s9;
	[dreg:$0x7] =	wrdreg s16  }
0x12: {  	s26 =	sshrl.u32 s25, $0x3;
	s20 =	sadd.s32 $0xC000, s9;
	[dreg:$0x8] =	wrdreg s17  }
0x13: {  	s21 =	sadd.s32 s24, s2;
	s12 =	sadd.s32 $0x10000, s9;
	[dreg:$0x9] =	wrdreg s20  }
0x14: {  	s25 =	simm.s32 $0x5;
	s6 =	sshrl.u32 s18, $0x3;
	[dreg:$0xa] =	wrdreg s12  }
0x15: {  	s17 =	sadd.s32 s19, s2;
	s18 =	sadd.s32 s0, s22;
	s19 =	sadd.s32 s23, s2  }
0x16: {  	s22 =	sadd.s32 s0, s26;
	s26 =	simm.s32 $0x2900;
	s6 =	sadd.s32 s0, s6  }
0x17: {  	[dreg:$0xb] =	wrdreg s6;
	s6 =	sadd.s32 s1, s23;
	s1 =	sadd.s32 s1, s10  }
0x18: {  	s23 =	sadd.s32 s10, s2;
	s6 =	sshrl.u32 s6, $0x3;
	s1 =	sshrl.u32 s1, $0x3  }
0x19: {  	s20 =	sadd.s32 s0, s6;
	s24 =	sadd.s32 s0, s1;
	s0 =	simm.s32 $0x0  }
.LBB2_1:
0x1a: {  	s1 =	rddreg [dreg:$0x4]  }
0x1b: {  	[tilespmem:s3], [sflag:$0x5] =	stream.linear.gather [hbm4b:s1+s3], $0x2780, $0x38;
	[tilespmem:$0x1E900] =	vst v63  }
0x1c: {  	_ =	swait.ge [sflag:s25], $0x2780  }
0x1d: {  	[sflag:s25] =	ssyncset.done $0x0  }
0x1e: {  	s12 =	rddreg [dreg:$0x3];
	[sflag:s25] =	ssyncadd.s32 $0xFFFFD880  }
0x1f: {  	[tilespmem:s26], [sflag:$0x5] =	stream.linear.gather [hbm4b:s12+s3], $0x4000, $0x38;
	[tilespmem:$0x1E900] =	vst v63  }
0x20: {  	_ =	swait.ge [sflag:s25], $0x4000  }
0x21: {  	[sflag:s25] =	ssyncset.done $0x0  }
0x22: {  	[sflag:s25] =	ssyncadd.s32 $0xFFFFC000  }
0x23: {  	[spmem:s9] =	stream.linear.scatter [tilespmem:s26], [sflag:$0x5], $0x4000, $0x38;
	[tilespmem:$0x1E900] =	vst v63  }
0x24: {  	_ =	swait.ge [sflag:s25], $0x4000  }
0x25: {  	[sflag:s25] =	ssyncset.done $0x0  }
0x26: {  	s13 =	rddreg [dreg:$0x7];
	[sflag:s25] =	ssyncadd.s32 $0xFFFFC000  }
0x27: {  	[spmem:s13] =	stream.linear.scatter [tilespmem:s26], [sflag:$0x5], $0x4000, $0x38;
	[tilespmem:$0x1E900] =	vst v63  }
0x28: {  	_ =	swait.ge [sflag:s25], $0x4000  }
0x29: {  	[sflag:s25] =	ssyncset.done $0x0  }
0x2a: {  	s14 =	rddreg [dreg:$0x8];
	[sflag:s25] =	ssyncadd.s32 $0xFFFFC000  }
0x2b: {  	[spmem:s14] =	stream.linear.scatter [tilespmem:s26], [sflag:$0x5], $0x4000, $0x38;
	[tilespmem:$0x1E900] =	vst v63  }
0x2c: {  	_ =	swait.ge [sflag:s25], $0x4000  }
0x2d: {  	[sflag:s25] =	ssyncset.done $0x0  }
0x2e: {  	s15 =	rddreg [dreg:$0x9];
	[sflag:s25] =	ssyncadd.s32 $0xFFFFC000  }
0x2f: {  	[spmem:s15] =	stream.linear.scatter [tilespmem:s26], [sflag:$0x5], $0x4000, $0x38;
	[tilespmem:$0x1E900] =	vst v63  }
0x30: {  	_ =	swait.ge [sflag:s25], $0x4000  }
0x31: {  	[sflag:s25] =	ssyncset.done $0x0  }
0x32: {  	s16 =	rddreg [dreg:$0xa];
	[sflag:s25] =	ssyncadd.s32 $0xFFFFC000  }
0x33: {  	[spmem:s16] =	stream.linear.scatter [tilespmem:s26], [sflag:$0x5], $0x4000, $0x38;
	[tilespmem:$0x1E900] =	vst v63  }
0x34: {  	_ =	swait.ge [sflag:s25], $0x4000  }
0x35: {  	[sflag:s25] =	ssyncset.done $0x0  }
0x36: {  	[sflag:s25] =	ssyncadd.s32 $0xFFFFC000  }
0x37: {  	[bflag:$0x0] =	sbarrier.arrive $0xFFFF  }
0x38: {  	s7 =	sand.u32 $0x7C00, s29;
	s6 =	rddreg [dreg:$0x5]  }
0x39: {  	[tilespmem:s28], [sflag:$0x3] =	stream.linear.gather [hbm4b:s6+s3], $0x80, $0x38;
	[tilespmem:$0x1E900] =	vst v63  }
0x3a: {  	s11 =	simm.s32 $0x0;
	s1 =	sadd.s32 s8, s7;
	s6 =	sand.u32 $0x380, s29  }
0x3b: {  	s7 =	sand.u32 $0x1, s30;
	s11 =	sand.u32 $0x1, s11;
	s1 =	sor.u32 s6, s1  }
0x3c: {  	[tilespmem:s26], [sflag:$0x1] =	stream.indirect.gather [hbm4b:s4+s29], $0x80, s3, s29, $0xb8;
	[tilespmem:$0x1E900] =	vst v63  }
0x3d: {  	s10 =	sshll.u32 s7, $0x7;
	s12 =	sadd.s32 $0x3, s7;
	s1 =	sshrl.u32 s1, $0x3  }
0x3e: {  	s6 =	sor.u32 $0x2800, s10;
	s10 =	sshll.u32 s7, $0xE;
	s1 =	sadd.s32 s5, s1  }
0x3f: {  	[tilespmem:s6], [sflag:s12] =	stream.linear.gather [hbm4b:s1+s3], $0x80, $0x38;
	[tilespmem:$0x1E900] =	vst v63  }
0x40: {  	s13 =	sadd.s32 $0x1, s11;
	s7 =	sadd.s32 $0x1, s7;
	s12 =	sor.u32 $0x2900, s10  }
0x41: {  	[tilespmem:s12], [sflag:s7] =	stream.indirect.gather [hbm4b:s4+s29], $0x80, s29, s29, $0xb8;
	[tilespmem:$0x1E900] =	vst v63  }
0x42: {  	_ =	swait.ge [sflag:s13], $0x4000  }
0x43: {  	[sflag:s13] =	ssyncset.done $0x0  }
0x44: {  	s14 =	sadd.s32 $0x3, s11;
	s15 =	sshll.u32 s11, $0xE;
	[sflag:s13] =	ssyncadd.s32 $0xFFFFC000  }
0x45: {  	s1 =	simm.s32 $0x100;
	s6 =	sshll.u32 s11, $0x7;
	_ =	swait.ge [sflag:s14], $0x80  }
0x46: {  	s10 =	sor.u32 $0x2900, s15;
	s6 =	sor.u32 $0x2800, s6;
	[sflag:s14] =	ssyncset.done $0x0  }
0x47: {  	s16 =	sand.u32 $0x7C00, s1;
	s7 =	simm.s32 $0x180;
	[sflag:s14] =	ssyncadd.s32 $0xFFFFFF80  }
0x48: {  	[spmem:s2] =	stream.indirect.scatter.add.f32 [tilespmem:s10], [sflag:$0x5], $0x80, s6, s29, $0xb8;
	[tilespmem:$0x1E900] =	vst v63  }
0x49: {  	s11 =	sadd.s32 s8, s16;
	s10 =	sand.u32 $0x380, s1;
	s6 =	simm.s32 $0x2  }
.LBB2_2:
0x4a: {  	s12 =	sand.u32 $0x1, s6  }
0x4b: {  	s10 =	sor.u32 s10, s11;
	_ =	swait.ge [sflag:s25], $0x4000;
	s11 =	smov.u32 s7  }
0x4c: {  	s13 =	sshll.u32 s12, $0x7;
	s10 =	sshrl.u32 s10, $0x3;
	[sflag:s25] =	ssyncset.done $0x0  }
0x4d: {  	s14 =	sshll.u32 s12, $0xE;
	s13 =	sor.u32 $0x2800, s13;
	s10 =	sadd.s32 s5, s10  }
0x4e: {  	s15 =	sadd.s32 $0xFFFFFFFF, s6;
	s16 =	sadd.s32 $0x3, s12;
	[sflag:s25] =	ssyncadd.s32 $0xFFFFC000  }
0x4f: {  	[tilespmem:s13], [sflag:s16] =	stream.linear.gather [hbm4b:s10+s3], $0x80, $0x38;
	[tilespmem:$0x1E900] =	vst v63  }
0x50: {  	s12 =	sadd.s32 $0x1, s12;
	s10 =	sand.u32 $0x1, s15;
	s13 =	sor.u32 $0x2900, s14  }
0x51: {  	[tilespmem:s13], [sflag:s12] =	stream.indirect.gather [hbm4b:s4+s29], $0x80, s1, s29, $0xb8;
	[tilespmem:$0x1E900] =	vst v63  }
0x52: {  	s14 =	sshll.u32 s10, $0x7;
	s12 =	sshll.u32 s10, $0xE;
	s13 =	sadd.s32 $0x1, s10  }
0x53: {  	p0 =	sne.s32 s7, $0x2700;
	s7 =	sadd.s32 $0x80, s7;
	_ =	swait.ge [sflag:s13], $0x4000  }
0x54: {  	s1 =	sadd.s32 $0x80, s1;
	[sflag:s13] =	ssyncset.done $0x0  }
.Ltmp0:
0x55: {  	[sflag:s13] =	ssyncadd.s32 $0xFFFFC000;
	s13 =	sadd.s32 $0x3, s10;
	(pc) =	sbr.rel @p0 .LBB2_2-.Ltmp0, $4  }
0x56: {  	s6 =	sadd.s32 $0x1, s6;
	s10 =	sand.u32 $0x380, s11;
	_ =	swait.ge [sflag:s13], $0x80  }
0x57: {  	s14 =	sor.u32 $0x2800, s14;
	s11 =	sand.u32 $0x7C00, s11;
	[sflag:s13] =	ssyncset.done $0x0  }
0x58: {  	s12 =	sor.u32 $0x2900, s12;
	s11 =	sadd.s32 s8, s11;
	[sflag:s13] =	ssyncadd.s32 $0xFFFFFF80  }
0x59: {  	[spmem:s2] =	stream.indirect.scatter.add.f32 [tilespmem:s12], [sflag:$0x5], $0x80, s14, s29, $0xb8;
	[tilespmem:$0x1E900] =	vst v63  }
0x5a: {  	s7 =	sand.u32 $0x1, s6;
	s10 =	sor.u32 s10, s11  }
0x5b: {  	_ =	swait.ge [sflag:s25], $0x4000;
	s15 =	sshll.u32 s7, $0x7;
	s10 =	sshrl.u32 s10, $0x3  }
0x5c: {  	[sflag:s25] =	ssyncset.done $0x0;
	s12 =	sadd.s32 $0x3, s7;
	s16 =	sshll.u32 s7, $0xE  }
0x5d: {  	s11 =	sor.u32 $0x2800, s15;
	s10 =	sadd.s32 s5, s10;
	[sflag:s25] =	ssyncadd.s32 $0xFFFFC000  }
0x5e: {  	[tilespmem:s11], [sflag:s12] =	stream.linear.gather [hbm4b:s10+s3], $0x80, $0x38;
	[tilespmem:$0x1E900] =	vst v63  }
0x5f: {  	s7 =	sadd.s32 $0x1, s7;
	s10 =	sor.u32 $0x2900, s16  }
0x60: {  	[tilespmem:s10], [sflag:s7] =	stream.indirect.gather [hbm4b:s4+s29], $0x80, s1, s29, $0xb8;
	[tilespmem:$0x1E900] =	vst v63  }
0x61: {  	s10 =	sadd.s32 $0xFFFFFFFF, s6  }
0x62: {  	s1 =	sand.u32 $0x1, s10  }
0x63: {  	s11 =	sadd.s32 $0x1, s1  }
0x64: {  	_ =	swait.ge [sflag:s11], $0x4000  }
0x65: {  	[sflag:s11] =	ssyncset.done $0x0  }
0x66: {  	s12 =	sadd.s32 $0x3, s1;
	[sflag:s11] =	ssyncadd.s32 $0xFFFFC000  }
0x67: {  	_ =	swait.ge [sflag:s12], $0x80  }
0x68: {  	s13 =	sshll.u32 s1, $0xE;
	s1 =	sshll.u32 s1, $0x7;
	[sflag:s12] =	ssyncset.done $0x0  }
0x69: {  	s1 =	sor.u32 $0x2800, s1;
	s14 =	sor.u32 $0x2900, s13;
	[sflag:s12] =	ssyncadd.s32 $0xFFFFFF80  }
0x6a: {  	[spmem:s2] =	stream.indirect.scatter.add.f32 [tilespmem:s14], [sflag:$0x5], $0x80, s1, s29, $0xb8;
	[tilespmem:$0x1E900] =	vst v63  }
0x6b: {  	_ =	swait.ge [sflag:s25], $0x4000  }
0x6c: {  	[sflag:s25] =	ssyncset.done $0x0  }
0x6d: {  	[sflag:s25] =	ssyncadd.s32 $0xFFFFC000  }
0x6e: {  	_ =	swait.ge [sflag:s30], $0x4000  }
0x6f: {  	[sflag:s30] =	ssyncset.done $0x0  }
0x70: {  	[sflag:s30] =	ssyncadd.s32 $0xFFFFC000  }
0x71: {  	_ =	swait.ge [sflag:s31], $0x80  }
0x72: {  	[sflag:s31] =	ssyncset.done $0x0  }
0x73: {  	[sflag:s31] =	ssyncadd.s32 $0xFFFFFF80  }
0x74: {  	[spmem:s2] =	stream.indirect.scatter.add.f32 [tilespmem:s26], [sflag:$0x5], $0x80, s28, s29, $0xb8;
	[tilespmem:$0x1E900] =	vst v63  }
0x75: {  	_ =	swait.ge [sflag:s25], $0x4000  }
0x76: {  	[sflag:s25] =	ssyncset.done $0x0  }
0x77: {  	[sflag:s25] =	ssyncadd.s32 $0xFFFFC000  }
0x78: {  	[bflag:$0x0] =	sbarrier.arrive $0xFFFF  }
0x79: {  	[tilespmem:s26], [sflag:$0x5] =	stream.linear.gather [spmem:s9], $0x4000, $0x38;
	[tilespmem:$0x1E900] =	vst v63  }
0x7a: {  	_ =	swait.ge [sflag:s25], $0x4000  }
0x7b: {  	[sflag:s25] =	ssyncset.done $0x0  }
0x7c: {  	s15 =	rddreg [dreg:$0xb];
	[sflag:s25] =	ssyncadd.s32 $0xFFFFC000  }
0x7d: {  	[hbm4b:s15+s3] =	stream.linear.scatter [tilespmem:s26], [sflag:$0x5], $0x4000, $0x38;
	[tilespmem:$0x1E900] =	vst v63  }
0x7e: {  	_ =	swait.ge [sflag:s25], $0x4000  }
0x7f: {  	[sflag:s25] =	ssyncset.done $0x0  }
0x80: {  	[sflag:s25] =	ssyncadd.s32 $0xFFFFC000  }
0x81: {  	[tilespmem:s26], [sflag:$0x5] =	stream.linear.gather [spmem:s17], $0x4000, $0x38;
	[tilespmem:$0x1E900] =	vst v63  }
0x82: {  	_ =	swait.ge [sflag:s25], $0x4000  }
0x83: {  	[sflag:s25] =	ssyncset.done $0x0  }
0x84: {  	[sflag:s25] =	ssyncadd.s32 $0xFFFFC000  }
0x85: {  	[hbm4b:s18+s3] =	stream.linear.scatter [tilespmem:s26], [sflag:$0x5], $0x4000, $0x38;
	[tilespmem:$0x1E900] =	vst v63  }
0x86: {  	_ =	swait.ge [sflag:s25], $0x4000  }
0x87: {  	[sflag:s25] =	ssyncset.done $0x0  }
0x88: {  	[sflag:s25] =	ssyncadd.s32 $0xFFFFC000  }
0x89: {  	[tilespmem:s26], [sflag:$0x5] =	stream.linear.gather [spmem:s19], $0x4000, $0x38;
	[tilespmem:$0x1E900] =	vst v63  }
0x8a: {  	_ =	swait.ge [sflag:s25], $0x4000  }
0x8b: {  	[sflag:s25] =	ssyncset.done $0x0  }
0x8c: {  	[sflag:s25] =	ssyncadd.s32 $0xFFFFC000  }
0x8d: {  	[hbm4b:s20+s3] =	stream.linear.scatter [tilespmem:s26], [sflag:$0x5], $0x4000, $0x38;
	[tilespmem:$0x1E900] =	vst v63  }
0x8e: {  	_ =	swait.ge [sflag:s25], $0x4000  }
0x8f: {  	[sflag:s25] =	ssyncset.done $0x0  }
0x90: {  	[sflag:s25] =	ssyncadd.s32 $0xFFFFC000  }
0x91: {  	[tilespmem:s26], [sflag:$0x5] =	stream.linear.gather [spmem:s21], $0x4000, $0x38;
	[tilespmem:$0x1E900] =	vst v63  }
0x92: {  	_ =	swait.ge [sflag:s25], $0x4000  }
0x93: {  	[sflag:s25] =	ssyncset.done $0x0  }
0x94: {  	[sflag:s25] =	ssyncadd.s32 $0xFFFFC000  }
0x95: {  	[hbm4b:s22+s3] =	stream.linear.scatter [tilespmem:s26], [sflag:$0x5], $0x4000, $0x38;
	[tilespmem:$0x1E900] =	vst v63  }
0x96: {  	_ =	swait.ge [sflag:s25], $0x4000  }
0x97: {  	[sflag:s25] =	ssyncset.done $0x0  }
0x98: {  	[sflag:s25] =	ssyncadd.s32 $0xFFFFC000  }
0x99: {  	[tilespmem:s26], [sflag:$0x5] =	stream.linear.gather [spmem:s23], $0x4000, $0x38;
	[tilespmem:$0x1E900] =	vst v63  }
0x9a: {  	_ =	swait.ge [sflag:s25], $0x4000  }
0x9b: {  	[sflag:s25] =	ssyncset.done $0x0  }
0x9c: {  	[sflag:s25] =	ssyncadd.s32 $0xFFFFC000  }
0x9d: {  	[hbm4b:s24+s3] =	stream.linear.scatter [tilespmem:s26], [sflag:$0x5], $0x4000, $0x38;
	[tilespmem:$0x1E900] =	vst v63  }
0x9e: {  	_ =	swait.ge [sflag:s25], $0x4000  }
0x9f: {  	s0 =	sadd.s32 $0x1, s0;
	s16 =	rddreg [dreg:$0x6]  }
0xa0: {  	p0 =	sne.s32 s0, s16  }
.Ltmp1:
0xa1: {  	_ = 	snop;
	(pc) =	sbr.rel @p0 .LBB2_1-.Ltmp1, $3  }
0xa2: {  	_ =	sdelay $0x1  }
0xa3: {  	[sflag:s25] =	ssyncset.done $0x0  }
0xa4: {  	[sflag:s25] =	ssyncadd.s32 $0xFFFFC000  }
0xa5: {  	_ =	sfence.sel $0x180000  }
0xa6: {  	[bflag:$0x0] =	sbarrier.arrive $0xFFFF  }
0xa7: {  	_ =	strace $0x9000004A  }
0xa8: {  	s0 =	stileid.u32;
	[bflag:$0x2] =	sbarrier.arrive $0xFFFF  }
0xa9: {  	p0 =	sne.s32 s0, $0x0;
	s0 =	rddreg [dreg:$0x2]  }
0xaa: {  	s0 =	sadd.s32 @!p0 $0x100000, s0  }
0xab: {  	[sflag:s0] =	ssyncadd.tile.s32 @!p0 $0x1;
	_ =	shalt  }
.Lfunc_end2:
_tile_overlayer_lowered:
.L_overlay_start_2:
0xac: {  	(tag) =	ssettag $0x2  }
0xad: {  	s0 =	rddreg [dreg:$0x0];
	s2 =	stileid.u32  }
0xae: {  	s1 =	rddreg [dreg:$0x1];
	p0 =	sne.s32 s2, $0x0  }
0xaf: {  	s3 =	rddreg [dreg:$0x2];
	[bflag:$0x3] =	sbarrier.arrive $0xFFFF;
	s2 =	simm.s32 @!p0 $0x1C05  }
0xb0: {  	[timem:s3], [sflag:s2] =	dma.local @!p0 [hbm:s0], s1  }
0xb1: {  	s0 =	simm.s32 @!p0 $0x5  }
0xb2: {  	_ =	swait.ge @!p0 [sflag:s0], s1  }
0xb3: {  	s1 =	ssub.s32 @!p0 $0x0, s1;
	[sflag:s0] =	ssyncset.done @!p0 $0x0  }
0xb4: {  	[sflag:s0] =	ssyncadd.s32 @!p0 s1  }
0xb5: {  	[bflag:$0x3] =	sbarrier.arrive $0xFFFF  }
0xb6: {  	_ =	shalt  }

// kernel: kernel.14.cloned.1.call-start
scs
__scs_entry_jumppad:
0x0: {  	(pc) =	sbr.rel $0x88, $3  }
0x1: {  	(tag) =	ssettag $0x0;
	lr =	simm.s32 $0x1  }
0x2: {  	[smem:$0x3F99] =	sst lr;
	_ =	strace $0xD0000000  }
0x3: {  	_ = 	snop  }
0x4: {  	_ = 	snop  }
0x5: {  	_ = 	snop  }
0x6: {  	_ = 	snop  }
0x7: {  	_ = 	snop  }
__scs_overlays_trampoline_lowered:
0x8: {  	[smem:$0x3FA8] =	sst s0  }
0x9: {  	[smem:$0x3FA9] =	sst s1  }
0xa: {  	[smem:$0x3FAA] =	sst s2  }
0xb: {  	[smem:$0x3FAB] =	sst s3  }
0xc: {  	[smem:$0x3FAC] =	sst s4  }
0xd: {  	[smem:$0x3FAD] =	sst s5  }
0xe: {  	[smem:$0x3FAE] =	sst s6  }
0xf: {  	[smem:$0x3FAF] =	sst s7  }
0x10: {  	[smem:$0x3FB0] =	sst s8  }
0x11: {  	[smem:$0x3FB1] =	sst s9;
	s0 =	simm.s32 @!p0 $0x0  }
0x12: {  	s1 =	sld [smem:$0x3F97];
	s0 =	simm.s32 @p0 $0x1  }
0x13: {  	[smem:$0x3FB2] =	sst s0;
	s0 =	simm.s32 @!p1 $0x0  }
0x14: {  	s2 =	sld [smem:$0x3F96];
	s0 =	simm.s32 @p1 $0x1  }
0x15: {  	[smem:$0x3FB3] =	sst s0;
	s0 =	simm.s32 @!p2 $0x0  }
0x16: {  	s3 =	sld [smem:$0x3FDB];
	s0 =	simm.s32 @p2 $0x1  }
0x17: {  	s4 =	simm.s32 $0x1BF5;
	[smem:$0x3FB5] =	sst s0  }
0x18: {  	s0 =	sld [smem:$0x3F98];
	_ =	swait.ge [sflag:s4], $0x0  }
0x19: {  	s7 =	sld [smem:$0x3F99]  }
0x1a: {  	s8 =	sadd.s32 $0xFFFFE003, lr  }
0x1b: {  	s9 =	sadd.s32 $0xFFFFFEF7, lr;
	s5 =	simm.s32 $0xFFFFFFFF;
	p2 =	slt.u32 s8, $0xFFFFF086  }
0x1c: {  	p1 =	slt.u32 s9, $0xF7A;
	s5 =	simm.s32 @!p2 $0x0  }
0x1d: {  	s5 =	simm.s32 @p1 $0x1;
	p0 =	seq.s32 s7, s2  }
0x1e: {  	s7 =	smul.u32 @!p0 $0xF7A, s2;
	p2 =	seq.s32 @!p0 s5, $0x0  }
0x1f: {  	s9 =	smul.u32 $0xF7A, s1;
	s8 =	simm.s32 @!p0 $0x1BF5;
	p2 =	por !p2, p0  }
0x20: {  	[sflag:s8] =	ssyncset.s32 @!p0 $0xFFFFF086;
	s6 =	sadd.s32 @!p0 s3, s7;
	s7 =	simm.s32 @!p0 $0x108  }
0x21: {  	s3 =	sadd.s32 s3, s9;
	s6 =	sadd.s32 @!p0 $0x88, s6;
	s7 =	simm.s32 @p2 $0x1082  }
0x22: {  	[simem:s7], [sflag:s8] =	dma.local @!p0 [hbm:s6], $0xF7A  }
0x23: {  	s9 =	sor.u32 $0xD0000000, s2;
	s6 =	simm.s32 $0x108;
	_ =	swait.ge @!p0 [sflag:s8], $0x0  }
0x24: {  	s3 =	sadd.s32 $0x88, s3;
	s6 =	simm.s32 @!p1 $0x1082;
	[sflag:s4] =	ssyncset.s32 $0xFFFFF086  }
0x25: {  	[simem:s6], [sflag:s4] =	dma.local [hbm:s3], $0xF7A  }
0x26: {  	[smem:$0x3F99] =	sst s1;
	(tag) =	ssettag s2;
	_ =	strace s9  }
0x27: {  	s1 =	sld [smem:$0x3FA9]  }
0x28: {  	s2 =	sld [smem:$0x3FAA]  }
0x29: {  	s4 =	sld [smem:$0x3FAC]  }
0x2a: {  	p0 =	seq.s32 s5, $0x0;
	s5 =	sld [smem:$0x3FAD]  }
0x2b: {  	s6 =	sld [smem:$0x3FAE]  }
0x2c: {  	s7 =	sld [smem:$0x3FAF]  }
0x2d: {  	s3 =	simm.s32 $0x108;
	s8 =	sld [smem:$0x3FB0]  }
0x2e: {  	s3 =	simm.s32 @!p0 $0x1082;
	s9 =	sld [smem:$0x3FB1]  }
0x2f: {  	lr =	sadd.s32 s0, s3;
	s0 =	sld [smem:$0x3FA8]  }
0x30: {  	s3 =	sld [smem:$0x3FAB]  }
0x31: {  	[smem:$0x3FB4] =	sst s10  }
0x32: {  	s10 =	sld [smem:$0x3FB2];
	_ =	sdelay $0x3  }
0x33: {  	p0 =	seq.s32 s10, $0x1;
	s10 =	sld [smem:$0x3FB4];
	_ =	sdelay $0x3  }
0x34: {  	[smem:$0x3FB4] =	sst s10  }
0x35: {  	s10 =	sld [smem:$0x3FB3];
	_ =	sdelay $0x3  }
0x36: {  	p1 =	seq.s32 s10, $0x1;
	s10 =	sld [smem:$0x3FB4];
	_ =	sdelay $0x3  }
0x37: {  	[smem:$0x3FB4] =	sst s10  }
0x38: {  	s10 =	sld [smem:$0x3FB5]  }
0x39: {  	_ = 	snop;
	(pc) =	sbr.ind lr, $3  }
0x3a: {  	_ = 	snop  }
0x3b: {  	_ = 	snop  }
0x3c: {  	p2 =	seq.s32 s10, $0x1;
	s10 =	sld [smem:$0x3FB4]  }
0x3d: {  	_ =	shalt  }
0x3e: {  	_ =	shalt  }
0x3f: {  	_ =	shalt  }
0x40: {  	_ =	shalt  }
0x41: {  	_ =	shalt  }
0x42: {  	_ =	shalt  }
0x43: {  	_ =	shalt  }
0x44: {  	_ =	shalt  }
0x45: {  	_ =	shalt  }
0x46: {  	_ =	shalt  }
0x47: {  	_ =	shalt  }
0x48: {  	_ =	shalt  }
0x49: {  	_ =	shalt  }
0x4a: {  	_ =	shalt  }
0x4b: {  	_ =	shalt  }
0x4c: {  	_ =	shalt  }
0x4d: {  	_ =	shalt  }
0x4e: {  	_ =	shalt  }
0x4f: {  	_ =	shalt  }
0x50: {  	_ =	shalt  }
0x51: {  	_ =	shalt  }
0x52: {  	_ =	shalt  }
0x53: {  	_ =	shalt  }
0x54: {  	_ =	shalt  }
0x55: {  	_ =	shalt  }
0x56: {  	_ =	shalt  }
0x57: {  	_ =	shalt  }
0x58: {  	_ =	shalt  }
0x59: {  	_ =	shalt  }
0x5a: {  	_ =	shalt  }
0x5b: {  	_ =	shalt  }
0x5c: {  	_ =	shalt  }
0x5d: {  	_ =	shalt  }
0x5e: {  	_ =	shalt  }
0x5f: {  	_ =	shalt  }
0x60: {  	_ =	shalt  }
0x61: {  	_ =	shalt  }
0x62: {  	_ =	shalt  }
0x63: {  	_ =	shalt  }
0x64: {  	_ =	shalt  }
0x65: {  	_ =	shalt  }
0x66: {  	_ =	shalt  }
0x67: {  	_ =	shalt  }
0x68: {  	_ =	shalt  }
0x69: {  	_ =	shalt  }
0x6a: {  	_ =	shalt  }
0x6b: {  	_ =	shalt  }
0x6c: {  	_ =	shalt  }
0x6d: {  	_ =	shalt  }
0x6e: {  	_ =	shalt  }
0x6f: {  	_ =	shalt  }
0x70: {  	_ =	shalt  }
0x71: {  	_ =	shalt  }
0x72: {  	_ =	shalt  }
0x73: {  	_ =	shalt  }
0x74: {  	_ =	shalt  }
0x75: {  	_ =	shalt  }
0x76: {  	_ =	shalt  }
0x77: {  	_ =	shalt  }
0x78: {  	_ =	shalt  }
0x79: {  	_ =	shalt  }
0x7a: {  	_ =	shalt  }
0x7b: {  	_ =	shalt  }
0x7c: {  	_ =	shalt  }
0x7d: {  	_ =	shalt  }
0x7e: {  	_ =	shalt  }
0x7f: {  	_ =	shalt  }
0x80: {  	_ =	shalt  }
0x81: {  	_ =	shalt  }
0x82: {  	_ =	shalt  }
0x83: {  	_ =	shalt  }
0x84: {  	_ =	shalt  }
0x85: {  	_ =	shalt  }
0x86: {  	_ =	shalt  }
0x87: {  	_ =	shalt  }
.Lfunc_end0:
.L_simem_size_0:
called_computation.2_lowered:
.L_overlay_start_0:
0x88: {  	s2 =	sld [smem:$0x3FD9]  }
0x89: {  	s3 =	sld [smem:$0x3FFE];
	_ =	sdelay $0x1  }
0x8a: {  	s1 =	srdreg.scid  }
0x8b: {  	s0 =	sand.u32 $0x1, s1  }
0x8c: {  	s16 =	sshll.u32 s0, $0xA;
	s2 =	sadd.s32 s3, s2  }
0x8d: {  	s2 =	sadd.s32 s2, s16  }
0x8e: {  	[smem:$0x3FC0] =	sst s2  }
0x8f: {  	_ = 	snop  }
0x90: {  	(tm) =	ssettm $0x1  }
0x91: {  	s17 =	sld [smem:$0x3FFB];
	_ =	sdelay $0x3  }
0x92: {  	_ =	strace s17  }
0x93: {  	s2 =	sld [smem:$0x3FFC];
	_ =	sdelay $0x3  }
0x94: {  	_ =	strace s2  }
0x95: {  	s2 =	sld [smem:$0x3FFD];
	_ =	sdelay $0x3  }
0x96: {  	_ =	strace s2  }
0x97: {  	_ =	strace $0x8FFFFFFF  }
0x98: {  	s18 =	sld [smem:$0x3FDB];
	_ =	sdelay $0x1  }
0x99: {  	s19 =	simm.s32 $_scs_section_size  }
0x9a: {  	s4 =	simm.s32 $_size__tile_overlayer_lowered;
	s5 =	simm.s32 $_tile_overlayer_lowered  }
0x9b: {  	s22 =	simm.s32 $0x1BFF;
	s21 =	sshll.u32 s5, $0x1;
	s2 =	sadd.s32 s19, s18  }
0x9c: {  	s6 =	simm.s32 $0x0;
	s20 =	sshll.u32 s4, $0x1;
	s4 =	sadd.s32 s21, s2  }
0x9d: {  	[timem:s6], [sflag:s22] =	dma.local [hbm:s4], s20  }
0x9e: {  	_ =	swait.ge [sflag:s22], s20  }
0x9f: {  	s3 =	ssub.s32 $0x0, s20;
	[sflag:s22] =	ssyncset.done $0x0  }
0xa0: {  	[sflag:s22] =	ssyncadd.s32 s3;
	_ =	sdelay $0x1  }
0xa1: {  	s23 =	simm.s32 $0x1B8B  }
0xa2: {  	_ =	swait.ge [sflag:s23], $0x1  }
0xa3: {  	[sflag:s23] =	ssyncset.done $0x0  }
0xa4: {  	s25 =	simm.s32 $0x1B8E;
	s24 =	sld [smem:$0x3FFE];
	[sflag:s23] =	ssyncadd.s32 $0xFFFFFFFF  }
0xa5: {  	s26 =	simm.s32 $execute0_lowered;
	[smem:$0x3FD2] =	sst s25  }
0xa6: {  	s4 =	sshll.u32 s26, $0x1;
	_ =	strace $0x8000004C;
	[dreg:$0x1] =	wrdreg $0xFFFFFFFF  }
0xa7: {  	s28 =	simm.s32 $_size_execute0_lowered;
	s2 =	sadd.s32 s2, s4;
	[dreg:$0x0] =	wrdreg $0x0  }
0xa8: {  	s4 =	sshll.u32 s28, $0x1;
	[dreg:$0x2] =	wrdreg s2  }
0xa9: {  	[dreg:$0x3] =	wrdreg s4  }
0xaa: {  	[dreg:$0x4] =	wrdreg $0xC0  }
0xab: {  	_ =	task [dreg:s6], $0x5FFFF  }
0xac: {  	[dreg:$0x1] =	wrdreg $0xFFFFFFFF  }
0xad: {  	[dreg:$0x0] =	wrdreg $0x60  }
0xae: {  	[dreg:$0x2] =	wrdreg s24  }
0xaf: {  	[dreg:$0x3] =	wrdreg $0xA9000  }
0xb0: {  	[dreg:$0x4] =	wrdreg $0x9  }
0xb1: {  	_ =	task.clear_ibuf [dreg:s6], $0x5FFFF;
	_ =	strace $0x9000004C  }
0xb2: {  	s29 =	simm.s32 $0x9;
	_ =	strace $0x8000004E  }
0xb3: {  	_ =	swait.ge [sflag:s29], $0x1  }
0xb4: {  	[sflag:s29] =	ssyncadd.s32 $0xFFFFFFFF  }
0xb5: {  	_ =	strace $0x9000004E  }
0xb6: {  	_ =	sfence  }
0xb7: {  	s30 =	sld [smem:$0x0];
	_ =	sdelay $0x2  }
0xb8: {  	s31 =	sshll.u32 s1, $0xD;
	s1 =	sshrl.u32 s1, $0x2  }
0xb9: {  	s3 =	sand.u32 $0x4000, s31;
	s1 =	sadd.s32 s1, s30  }
0xba: {  	s0 =	sor.u32 s3, s0;
	s1 =	sshll.u32 s1, $0x11  }
0xbb: {  	s0 =	sor.u32 s1, s0  }
0xbc: {  	s0 =	sadd.s32 $0x8F2B, s0  }
0xbd: {  	[sflag:s0] =	ssyncadd.remote.s32 $0x1  }
0xbe: {  	_ =	sfence.sel $0xFFFF  }
0xbf: {  	[dreg:$0x0] =	wrdreg $0xFFFFFFFF;
	(pc) =	sbr.abs _section_cstart, $3  }
0xc0: {  	[dreg:$0x1] =	wrdreg $0xFFFFFFFF  }
0xc1: {  	_ =	task.clear_ibuf [dreg:s6], $0x2FFFF;
	_ =	strace $0x9FFFFFFF  }
0xc2: {  	(tm) =	ssettm $0x7FFFFFFF  }
0xc3: {  	_ =	shalt  }
tec
execute0_lowered:
.L_overlay_start_1:
0x0: {  	(tag) =	ssettag $0x1  }
0x1: {  	s0 =	rddreg [dreg:$0x0]  }
0x2: {  	s2 =	rddreg [dreg:$0x1];
	s1 =	srdreg.scid  }
0x3: {  	s11 =	stileid.u32;
	s3 =	simm.s32 $0x0;
	s28 =	simm.s32 $0x2800  }
0x4: {  	s29 =	simm.s32 $0x80;
	s30 =	simm.s32 $0x1;
	s31 =	simm.s32 $0x3  }
0x5: {  	s1 =	sand.u32 $0x1, s1;
	s4 =	sshll.u32 s11, $0x1;
	s10 =	smul.u32 $0x50000, s11  }
0x6: {  	[smem:$0x7FF] =	sst s3;
	s7 =	sadd.s32 $0x17800, s0;
	s14 =	smul.u32 $0x14000, s11  }
0x7: {  	s5 =	sor.u32 s1, s4;
	_ =	strace $0x8000004D;
	s4 =	sadd.s32 $0x18000, s0  }
0x8: {  	[dreg:$0x3] =	wrdreg s7;
	s26 =	ssub.s32 $0x2, s1;
	s1 =	smul.u32 $0x140000, s1  }
0x9: {  	s6 =	smul.u32 $0x2800, s5;
	s5 =	sadd.s32 $0x2800, s0;
	s8 =	sshrl.u32 s26, $0x1  }
0xa: {  	s0 =	sadd.s32 $0x40000, s0;
	s13 =	sshrl.u32 s10, $0x2;
	s19 =	sadd.s32 $0x4000, s14  }
0xb: {  	s23 =	sadd.s32 $0x8000, s14;
	s24 =	sadd.s32 $0xC000, s14;
	s10 =	sadd.s32 $0x10000, s14  }
0xc: {  	s7 =	ssub.s32 s26, s8;
	s18 =	sadd.s32 s1, s14;
	s21 =	sadd.s32 s1, s19  }
0xd: {  	s9 =	sshrl.u32 s6, $0x3;
	s8 =	sadd.s32 $0x50000, s6;
	s15 =	smax.u32 s7, $0x1  }
0xe: {  	s12 =	sadd.s32 s5, s9;
	s6 =	sshrl.u32 s8, $0x3;
	[dreg:$0x6] =	wrdreg s15  }
0xf: {  	s9 =	sadd.s32 s13, s2;
	[dreg:$0x4] =	wrdreg s12;
	s6 =	sadd.s32 s5, s6  }
0x10: {  	s25 =	sadd.s32 s1, s24;
	s16 =	sadd.s32 $0x4000, s9;
	[dreg:$0x5] =	wrdreg s6  }
0x11: {  	s22 =	sshrl.u32 s21, $0x3;
	s17 =	sadd.s32 $0x8000, s9;
	[dreg:$0x7] =	wrdreg s16  }
0x12: {  	s26 =	sshrl.u32 s25, $0x3;
	s20 =	sadd.s32 $0xC000, s9;
	[dreg:$0x8] =	wrdreg s17  }
0x13: {  	s21 =	sadd.s32 s24, s2;
	s12 =	sadd.s32 $0x10000, s9;
	[dreg:$0x9] =	wrdreg s20  }
0x14: {  	s25 =	simm.s32 $0x5;
	s6 =	sshrl.u32 s18, $0x3;
	[dreg:$0xa] =	wrdreg s12  }
0x15: {  	s17 =	sadd.s32 s19, s2;
	s18 =	sadd.s32 s0, s22;
	s19 =	sadd.s32 s23, s2  }
0x16: {  	s22 =	sadd.s32 s0, s26;
	s26 =	simm.s32 $0x2900;
	s6 =	sadd.s32 s0, s6  }
0x17: {  	[dreg:$0xb] =	wrdreg s6;
	s6 =	sadd.s32 s1, s23;
	s1 =	sadd.s32 s1, s10  }
0x18: {  	s23 =	sadd.s32 s10, s2;
	s6 =	sshrl.u32 s6, $0x3;
	s1 =	sshrl.u32 s1, $0x3  }
0x19: {  	s20 =	sadd.s32 s0, s6;
	s24 =	sadd.s32 s0, s1;
	s0 =	simm.s32 $0x0  }
.LBB2_1:
0x1a: {  	s1 =	rddreg [dreg:$0x4]  }
0x1b: {  	[tilespmem:s3], [sflag:$0x5] =	stream.linear.gather [hbm4b:s1+s3], $0x2780, $0x38;
	[tilespmem:$0x1E900] =	vst v63  }
0x1c: {  	_ =	swait.ge [sflag:s25], $0x2780  }
0x1d: {  	[sflag:s25] =	ssyncset.done $0x0  }
0x1e: {  	s12 =	rddreg [dreg:$0x3];
	[sflag:s25] =	ssyncadd.s32 $0xFFFFD880  }
0x1f: {  	[tilespmem:s26], [sflag:$0x5] =	stream.linear.gather [hbm4b:s12+s3], $0x4000, $0x38;
	[tilespmem:$0x1E900] =	vst v63  }
0x20: {  	_ =	swait.ge [sflag:s25], $0x4000  }
0x21: {  	[sflag:s25] =	ssyncset.done $0x0  }
0x22: {  	[sflag:s25] =	ssyncadd.s32 $0xFFFFC000  }
0x23: {  	[spmem:s9] =	stream.linear.scatter [tilespmem:s26], [sflag:$0x5], $0x4000, $0x38;
	[tilespmem:$0x1E900] =	vst v63  }
0x24: {  	_ =	swait.ge [sflag:s25], $0x4000  }
0x25: {  	[sflag:s25] =	ssyncset.done $0x0  }
0x26: {  	s13 =	rddreg [dreg:$0x7];
	[sflag:s25] =	ssyncadd.s32 $0xFFFFC000  }
0x27: {  	[spmem:s13] =	stream.linear.scatter [tilespmem:s26], [sflag:$0x5], $0x4000, $0x38;
	[tilespmem:$0x1E900] =	vst v63  }
0x28: {  	_ =	swait.ge [sflag:s25], $0x4000  }
0x29: {  	[sflag:s25] =	ssyncset.done $0x0  }
0x2a: {  	s14 =	rddreg [dreg:$0x8];
	[sflag:s25] =	ssyncadd.s32 $0xFFFFC000  }
0x2b: {  	[spmem:s14] =	stream.linear.scatter [tilespmem:s26], [sflag:$0x5], $0x4000, $0x38;
	[tilespmem:$0x1E900] =	vst v63  }
0x2c: {  	_ =	swait.ge [sflag:s25], $0x4000  }
0x2d: {  	[sflag:s25] =	ssyncset.done $0x0  }
0x2e: {  	s15 =	rddreg [dreg:$0x9];
	[sflag:s25] =	ssyncadd.s32 $0xFFFFC000  }
0x2f: {  	[spmem:s15] =	stream.linear.scatter [tilespmem:s26], [sflag:$0x5], $0x4000, $0x38;
	[tilespmem:$0x1E900] =	vst v63  }
0x30: {  	_ =	swait.ge [sflag:s25], $0x4000  }
0x31: {  	[sflag:s25] =	ssyncset.done $0x0  }
0x32: {  	s16 =	rddreg [dreg:$0xa];
	[sflag:s25] =	ssyncadd.s32 $0xFFFFC000  }
0x33: {  	[spmem:s16] =	stream.linear.scatter [tilespmem:s26], [sflag:$0x5], $0x4000, $0x38;
	[tilespmem:$0x1E900] =	vst v63  }
0x34: {  	_ =	swait.ge [sflag:s25], $0x4000  }
0x35: {  	[sflag:s25] =	ssyncset.done $0x0  }
0x36: {  	[sflag:s25] =	ssyncadd.s32 $0xFFFFC000  }
0x37: {  	[bflag:$0x0] =	sbarrier.arrive $0xFFFF  }
0x38: {  	s7 =	sand.u32 $0x7C00, s29;
	s6 =	rddreg [dreg:$0x5]  }
0x39: {  	[tilespmem:s28], [sflag:$0x3] =	stream.linear.gather [hbm4b:s6+s3], $0x80, $0x38;
	[tilespmem:$0x1E900] =	vst v63  }
0x3a: {  	s11 =	simm.s32 $0x0;
	s1 =	sadd.s32 s8, s7;
	s6 =	sand.u32 $0x380, s29  }
0x3b: {  	s7 =	sand.u32 $0x1, s30;
	s11 =	sand.u32 $0x1, s11;
	s1 =	sor.u32 s6, s1  }
0x3c: {  	[tilespmem:s26], [sflag:$0x1] =	stream.indirect.gather [hbm4b:s4+s29], $0x80, s3, s29, $0xb8;
	[tilespmem:$0x1E900] =	vst v63  }
0x3d: {  	s10 =	sshll.u32 s7, $0x7;
	s12 =	sadd.s32 $0x3, s7;
	s1 =	sshrl.u32 s1, $0x3  }
0x3e: {  	s6 =	sor.u32 $0x2800, s10;
	s10 =	sshll.u32 s7, $0xE;
	s1 =	sadd.s32 s5, s1  }
0x3f: {  	[tilespmem:s6], [sflag:s12] =	stream.linear.gather [hbm4b:s1+s3], $0x80, $0x38;
	[tilespmem:$0x1E900] =	vst v63  }
0x40: {  	s13 =	sadd.s32 $0x1, s11;
	s7 =	sadd.s32 $0x1, s7;
	s12 =	sor.u32 $0x2900, s10  }
0x41: {  	[tilespmem:s12], [sflag:s7] =	stream.indirect.gather [hbm4b:s4+s29], $0x80, s29, s29, $0xb8;
	[tilespmem:$0x1E900] =	vst v63  }
0x42: {  	_ =	swait.ge [sflag:s13], $0x4000  }
0x43: {  	[sflag:s13] =	ssyncset.done $0x0  }
0x44: {  	s14 =	sadd.s32 $0x3, s11;
	s15 =	sshll.u32 s11, $0xE;
	[sflag:s13] =	ssyncadd.s32 $0xFFFFC000  }
0x45: {  	s1 =	simm.s32 $0x100;
	s6 =	sshll.u32 s11, $0x7;
	_ =	swait.ge [sflag:s14], $0x80  }
0x46: {  	s10 =	sor.u32 $0x2900, s15;
	s6 =	sor.u32 $0x2800, s6;
	[sflag:s14] =	ssyncset.done $0x0  }
0x47: {  	s16 =	sand.u32 $0x7C00, s1;
	s7 =	simm.s32 $0x180;
	[sflag:s14] =	ssyncadd.s32 $0xFFFFFF80  }
0x48: {  	[spmem:s2] =	stream.indirect.scatter.add.f32 [tilespmem:s10], [sflag:$0x5], $0x80, s6, s29, $0xb8;
	[tilespmem:$0x1E900] =	vst v63  }
0x49: {  	s11 =	sadd.s32 s8, s16;
	s10 =	sand.u32 $0x380, s1;
	s6 =	simm.s32 $0x2  }
.LBB2_2:
0x4a: {  	s12 =	sand.u32 $0x1, s6  }
0x4b: {  	s10 =	sor.u32 s10, s11;
	_ =	swait.ge [sflag:s25], $0x4000;
	s11 =	smov.u32 s7  }
0x4c: {  	s13 =	sshll.u32 s12, $0x7;
	s10 =	sshrl.u32 s10, $0x3;
	[sflag:s25] =	ssyncset.done $0x0  }
0x4d: {  	s14 =	sshll.u32 s12, $0xE;
	s13 =	sor.u32 $0x2800, s13;
	s10 =	sadd.s32 s5, s10  }
0x4e: {  	s15 =	sadd.s32 $0xFFFFFFFF, s6;
	s16 =	sadd.s32 $0x3, s12;
	[sflag:s25] =	ssyncadd.s32 $0xFFFFC000  }
0x4f: {  	[tilespmem:s13], [sflag:s16] =	stream.linear.gather [hbm4b:s10+s3], $0x80, $0x38;
	[tilespmem:$0x1E900] =	vst v63  }
0x50: {  	s12 =	sadd.s32 $0x1, s12;
	s10 =	sand.u32 $0x1, s15;
	s13 =	sor.u32 $0x2900, s14  }
0x51: {  	[tilespmem:s13], [sflag:s12] =	stream.indirect.gather [hbm4b:s4+s29], $0x80, s1, s29, $0xb8;
	[tilespmem:$0x1E900] =	vst v63  }
0x52: {  	s14 =	sshll.u32 s10, $0x7;
	s12 =	sshll.u32 s10, $0xE;
	s13 =	sadd.s32 $0x1, s10  }
0x53: {  	p0 =	sne.s32 s7, $0x2700;
	s7 =	sadd.s32 $0x80, s7;
	_ =	swait.ge [sflag:s13], $0x4000  }
0x54: {  	s1 =	sadd.s32 $0x80, s1;
	[sflag:s13] =	ssyncset.done $0x0  }
.Ltmp0:
0x55: {  	[sflag:s13] =	ssyncadd.s32 $0xFFFFC000;
	s13 =	sadd.s32 $0x3, s10;
	(pc) =	sbr.rel @p0 .LBB2_2-.Ltmp0, $4  }
0x56: {  	s6 =	sadd.s32 $0x1, s6;
	s10 =	sand.u32 $0x380, s11;
	_ =	swait.ge [sflag:s13], $0x80  }
0x57: {  	s14 =	sor.u32 $0x2800, s14;
	s11 =	sand.u32 $0x7C00, s11;
	[sflag:s13] =	ssyncset.done $0x0  }
0x58: {  	s12 =	sor.u32 $0x2900, s12;
	s11 =	sadd.s32 s8, s11;
	[sflag:s13] =	ssyncadd.s32 $0xFFFFFF80  }
0x59: {  	[spmem:s2] =	stream.indirect.scatter.add.f32 [tilespmem:s12], [sflag:$0x5], $0x80, s14, s29, $0xb8;
	[tilespmem:$0x1E900] =	vst v63  }
0x5a: {  	s7 =	sand.u32 $0x1, s6;
	s10 =	sor.u32 s10, s11  }
0x5b: {  	_ =	swait.ge [sflag:s25], $0x4000;
	s15 =	sshll.u32 s7, $0x7;
	s10 =	sshrl.u32 s10, $0x3  }
0x5c: {  	[sflag:s25] =	ssyncset.done $0x0;
	s12 =	sadd.s32 $0x3, s7;
	s16 =	sshll.u32 s7, $0xE  }
0x5d: {  	s11 =	sor.u32 $0x2800, s15;
	s10 =	sadd.s32 s5, s10;
	[sflag:s25] =	ssyncadd.s32 $0xFFFFC000  }
0x5e: {  	[tilespmem:s11], [sflag:s12] =	stream.linear.gather [hbm4b:s10+s3], $0x80, $0x38;
	[tilespmem:$0x1E900] =	vst v63  }
0x5f: {  	s7 =	sadd.s32 $0x1, s7;
	s10 =	sor.u32 $0x2900, s16  }
0x60: {  	[tilespmem:s10], [sflag:s7] =	stream.indirect.gather [hbm4b:s4+s29], $0x80, s1, s29, $0xb8;
	[tilespmem:$0x1E900] =	vst v63  }
0x61: {  	s10 =	sadd.s32 $0xFFFFFFFF, s6  }
0x62: {  	s1 =	sand.u32 $0x1, s10  }
0x63: {  	s11 =	sadd.s32 $0x1, s1  }
0x64: {  	_ =	swait.ge [sflag:s11], $0x4000  }
0x65: {  	[sflag:s11] =	ssyncset.done $0x0  }
0x66: {  	s12 =	sadd.s32 $0x3, s1;
	[sflag:s11] =	ssyncadd.s32 $0xFFFFC000  }
0x67: {  	_ =	swait.ge [sflag:s12], $0x80  }
0x68: {  	s13 =	sshll.u32 s1, $0xE;
	s1 =	sshll.u32 s1, $0x7;
	[sflag:s12] =	ssyncset.done $0x0  }
0x69: {  	s1 =	sor.u32 $0x2800, s1;
	s14 =	sor.u32 $0x2900, s13;
	[sflag:s12] =	ssyncadd.s32 $0xFFFFFF80  }
0x6a: {  	[spmem:s2] =	stream.indirect.scatter.add.f32 [tilespmem:s14], [sflag:$0x5], $0x80, s1, s29, $0xb8;
	[tilespmem:$0x1E900] =	vst v63  }
0x6b: {  	_ =	swait.ge [sflag:s25], $0x4000  }
0x6c: {  	[sflag:s25] =	ssyncset.done $0x0  }
0x6d: {  	[sflag:s25] =	ssyncadd.s32 $0xFFFFC000  }
0x6e: {  	_ =	swait.ge [sflag:s30], $0x4000  }
0x6f: {  	[sflag:s30] =	ssyncset.done $0x0  }
0x70: {  	[sflag:s30] =	ssyncadd.s32 $0xFFFFC000  }
0x71: {  	_ =	swait.ge [sflag:s31], $0x80  }
0x72: {  	[sflag:s31] =	ssyncset.done $0x0  }
0x73: {  	[sflag:s31] =	ssyncadd.s32 $0xFFFFFF80  }
0x74: {  	[spmem:s2] =	stream.indirect.scatter.add.f32 [tilespmem:s26], [sflag:$0x5], $0x80, s28, s29, $0xb8;
	[tilespmem:$0x1E900] =	vst v63  }
0x75: {  	_ =	swait.ge [sflag:s25], $0x4000  }
0x76: {  	[sflag:s25] =	ssyncset.done $0x0  }
0x77: {  	[sflag:s25] =	ssyncadd.s32 $0xFFFFC000  }
0x78: {  	[bflag:$0x0] =	sbarrier.arrive $0xFFFF  }
0x79: {  	[tilespmem:s26], [sflag:$0x5] =	stream.linear.gather [spmem:s9], $0x4000, $0x38;
	[tilespmem:$0x1E900] =	vst v63  }
0x7a: {  	_ =	swait.ge [sflag:s25], $0x4000  }
0x7b: {  	[sflag:s25] =	ssyncset.done $0x0  }
0x7c: {  	s15 =	rddreg [dreg:$0xb];
	[sflag:s25] =	ssyncadd.s32 $0xFFFFC000  }
0x7d: {  	[hbm4b:s15+s3] =	stream.linear.scatter [tilespmem:s26], [sflag:$0x5], $0x4000, $0x38;
	[tilespmem:$0x1E900] =	vst v63  }
0x7e: {  	_ =	swait.ge [sflag:s25], $0x4000  }
0x7f: {  	[sflag:s25] =	ssyncset.done $0x0  }
0x80: {  	[sflag:s25] =	ssyncadd.s32 $0xFFFFC000  }
0x81: {  	[tilespmem:s26], [sflag:$0x5] =	stream.linear.gather [spmem:s17], $0x4000, $0x38;
	[tilespmem:$0x1E900] =	vst v63  }
0x82: {  	_ =	swait.ge [sflag:s25], $0x4000  }
0x83: {  	[sflag:s25] =	ssyncset.done $0x0  }
0x84: {  	[sflag:s25] =	ssyncadd.s32 $0xFFFFC000  }
0x85: {  	[hbm4b:s18+s3] =	stream.linear.scatter [tilespmem:s26], [sflag:$0x5], $0x4000, $0x38;
	[tilespmem:$0x1E900] =	vst v63  }
0x86: {  	_ =	swait.ge [sflag:s25], $0x4000  }
0x87: {  	[sflag:s25] =	ssyncset.done $0x0  }
0x88: {  	[sflag:s25] =	ssyncadd.s32 $0xFFFFC000  }
0x89: {  	[tilespmem:s26], [sflag:$0x5] =	stream.linear.gather [spmem:s19], $0x4000, $0x38;
	[tilespmem:$0x1E900] =	vst v63  }
0x8a: {  	_ =	swait.ge [sflag:s25], $0x4000  }
0x8b: {  	[sflag:s25] =	ssyncset.done $0x0  }
0x8c: {  	[sflag:s25] =	ssyncadd.s32 $0xFFFFC000  }
0x8d: {  	[hbm4b:s20+s3] =	stream.linear.scatter [tilespmem:s26], [sflag:$0x5], $0x4000, $0x38;
	[tilespmem:$0x1E900] =	vst v63  }
0x8e: {  	_ =	swait.ge [sflag:s25], $0x4000  }
0x8f: {  	[sflag:s25] =	ssyncset.done $0x0  }
0x90: {  	[sflag:s25] =	ssyncadd.s32 $0xFFFFC000  }
0x91: {  	[tilespmem:s26], [sflag:$0x5] =	stream.linear.gather [spmem:s21], $0x4000, $0x38;
	[tilespmem:$0x1E900] =	vst v63  }
0x92: {  	_ =	swait.ge [sflag:s25], $0x4000  }
0x93: {  	[sflag:s25] =	ssyncset.done $0x0  }
0x94: {  	[sflag:s25] =	ssyncadd.s32 $0xFFFFC000  }
0x95: {  	[hbm4b:s22+s3] =	stream.linear.scatter [tilespmem:s26], [sflag:$0x5], $0x4000, $0x38;
	[tilespmem:$0x1E900] =	vst v63  }
0x96: {  	_ =	swait.ge [sflag:s25], $0x4000  }
0x97: {  	[sflag:s25] =	ssyncset.done $0x0  }
0x98: {  	[sflag:s25] =	ssyncadd.s32 $0xFFFFC000  }
0x99: {  	[tilespmem:s26], [sflag:$0x5] =	stream.linear.gather [spmem:s23], $0x4000, $0x38;
	[tilespmem:$0x1E900] =	vst v63  }
0x9a: {  	_ =	swait.ge [sflag:s25], $0x4000  }
0x9b: {  	[sflag:s25] =	ssyncset.done $0x0  }
0x9c: {  	[sflag:s25] =	ssyncadd.s32 $0xFFFFC000  }
0x9d: {  	[hbm4b:s24+s3] =	stream.linear.scatter [tilespmem:s26], [sflag:$0x5], $0x4000, $0x38;
	[tilespmem:$0x1E900] =	vst v63  }
0x9e: {  	_ =	swait.ge [sflag:s25], $0x4000  }
0x9f: {  	s0 =	sadd.s32 $0x1, s0;
	s16 =	rddreg [dreg:$0x6]  }
0xa0: {  	p0 =	sne.s32 s0, s16  }
.Ltmp1:
0xa1: {  	_ = 	snop;
	(pc) =	sbr.rel @p0 .LBB2_1-.Ltmp1, $3  }
0xa2: {  	_ =	sdelay $0x1  }
0xa3: {  	[sflag:s25] =	ssyncset.done $0x0  }
0xa4: {  	[sflag:s25] =	ssyncadd.s32 $0xFFFFC000  }
0xa5: {  	_ =	sfence.sel $0x180000  }
0xa6: {  	[bflag:$0x0] =	sbarrier.arrive $0xFFFF  }
0xa7: {  	_ =	strace $0x9000004D  }
0xa8: {  	s0 =	stileid.u32;
	[bflag:$0x2] =	sbarrier.arrive $0xFFFF  }
0xa9: {  	p0 =	sne.s32 s0, $0x0;
	s0 =	rddreg [dreg:$0x2]  }
0xaa: {  	s0 =	sadd.s32 @!p0 $0x100000, s0  }
0xab: {  	[sflag:s0] =	ssyncadd.tile.s32 @!p0 $0x1;
	_ =	shalt  }
.Lfunc_end2:
_tile_overlayer_lowered:
.L_overlay_start_2:
0xac: {  	(tag) =	ssettag $0x2  }
0xad: {  	s0 =	rddreg [dreg:$0x0];
	s2 =	stileid.u32  }
0xae: {  	s1 =	rddreg [dreg:$0x1];
	p0 =	sne.s32 s2, $0x0  }
0xaf: {  	s3 =	rddreg [dreg:$0x2];
	[bflag:$0x3] =	sbarrier.arrive $0xFFFF;
	s2 =	simm.s32 @!p0 $0x1C05  }
0xb0: {  	[timem:s3], [sflag:s2] =	dma.local @!p0 [hbm:s0], s1  }
0xb1: {  	s0 =	simm.s32 @!p0 $0x5  }
0xb2: {  	_ =	swait.ge @!p0 [sflag:s0], s1  }
0xb3: {  	s1 =	ssub.s32 @!p0 $0x0, s1;
	[sflag:s0] =	ssyncset.done @!p0 $0x0  }
0xb4: {  	[sflag:s0] =	ssyncadd.s32 @!p0 s1  }
0xb5: {  	[bflag:$0x3] =	sbarrier.arrive $0xFFFF  }
0xb6: {  	_ =	shalt  }

// kernel: kernel.8.cloned.1.call-start
scs
__scs_entry_jumppad:
0x0: {  	(pc) =	sbr.rel $0x88, $3  }
0x1: {  	(tag) =	ssettag $0x0;
	lr =	simm.s32 $0x1  }
0x2: {  	[smem:$0x3F99] =	sst lr;
	_ =	strace $0xD0000000  }
0x3: {  	_ = 	snop  }
0x4: {  	_ = 	snop  }
0x5: {  	_ = 	snop  }
0x6: {  	_ = 	snop  }
0x7: {  	_ = 	snop  }
__scs_overlays_trampoline_lowered:
0x8: {  	[smem:$0x3FA8] =	sst s0  }
0x9: {  	[smem:$0x3FA9] =	sst s1  }
0xa: {  	[smem:$0x3FAA] =	sst s2  }
0xb: {  	[smem:$0x3FAB] =	sst s3  }
0xc: {  	[smem:$0x3FAC] =	sst s4  }
0xd: {  	[smem:$0x3FAD] =	sst s5  }
0xe: {  	[smem:$0x3FAE] =	sst s6  }
0xf: {  	[smem:$0x3FAF] =	sst s7  }
0x10: {  	[smem:$0x3FB0] =	sst s8  }
0x11: {  	[smem:$0x3FB1] =	sst s9;
	s0 =	simm.s32 @!p0 $0x0  }
0x12: {  	s1 =	sld [smem:$0x3F97];
	s0 =	simm.s32 @p0 $0x1  }
0x13: {  	[smem:$0x3FB2] =	sst s0;
	s0 =	simm.s32 @!p1 $0x0  }
0x14: {  	s2 =	sld [smem:$0x3F96];
	s0 =	simm.s32 @p1 $0x1  }
0x15: {  	[smem:$0x3FB3] =	sst s0;
	s0 =	simm.s32 @!p2 $0x0  }
0x16: {  	s3 =	sld [smem:$0x3FDB];
	s0 =	simm.s32 @p2 $0x1  }
0x17: {  	s4 =	simm.s32 $0x1BF5;
	[smem:$0x3FB5] =	sst s0  }
0x18: {  	s0 =	sld [smem:$0x3F98];
	_ =	swait.ge [sflag:s4], $0x0  }
0x19: {  	s7 =	sld [smem:$0x3F99]  }
0x1a: {  	s8 =	sadd.s32 $0xFFFFE003, lr  }
0x1b: {  	s9 =	sadd.s32 $0xFFFFFEF7, lr;
	s5 =	simm.s32 $0xFFFFFFFF;
	p2 =	slt.u32 s8, $0xFFFFF086  }
0x1c: {  	p1 =	slt.u32 s9, $0xF7A;
	s5 =	simm.s32 @!p2 $0x0  }
0x1d: {  	s5 =	simm.s32 @p1 $0x1;
	p0 =	seq.s32 s7, s2  }
0x1e: {  	s7 =	smul.u32 @!p0 $0xF7A, s2;
	p2 =	seq.s32 @!p0 s5, $0x0  }
0x1f: {  	s9 =	smul.u32 $0xF7A, s1;
	s8 =	simm.s32 @!p0 $0x1BF5;
	p2 =	por !p2, p0  }
0x20: {  	[sflag:s8] =	ssyncset.s32 @!p0 $0xFFFFF086;
	s6 =	sadd.s32 @!p0 s3, s7;
	s7 =	simm.s32 @!p0 $0x108  }
0x21: {  	s3 =	sadd.s32 s3, s9;
	s6 =	sadd.s32 @!p0 $0x88, s6;
	s7 =	simm.s32 @p2 $0x1082  }
0x22: {  	[simem:s7], [sflag:s8] =	dma.local @!p0 [hbm:s6], $0xF7A  }
0x23: {  	s9 =	sor.u32 $0xD0000000, s2;
	s6 =	simm.s32 $0x108;
	_ =	swait.ge @!p0 [sflag:s8], $0x0  }
0x24: {  	s3 =	sadd.s32 $0x88, s3;
	s6 =	simm.s32 @!p1 $0x1082;
	[sflag:s4] =	ssyncset.s32 $0xFFFFF086  }
0x25: {  	[simem:s6], [sflag:s4] =	dma.local [hbm:s3], $0xF7A  }
0x26: {  	[smem:$0x3F99] =	sst s1;
	(tag) =	ssettag s2;
	_ =	strace s9  }
0x27: {  	s1 =	sld [smem:$0x3FA9]  }
0x28: {  	s2 =	sld [smem:$0x3FAA]  }
0x29: {  	s4 =	sld [smem:$0x3FAC]  }
0x2a: {  	p0 =	seq.s32 s5, $0x0;
	s5 =	sld [smem:$0x3FAD]  }
0x2b: {  	s6 =	sld [smem:$0x3FAE]  }
0x2c: {  	s7 =	sld [smem:$0x3FAF]  }
0x2d: {  	s3 =	simm.s32 $0x108;
	s8 =	sld [smem:$0x3FB0]  }
0x2e: {  	s3 =	simm.s32 @!p0 $0x1082;
	s9 =	sld [smem:$0x3FB1]  }
0x2f: {  	lr =	sadd.s32 s0, s3;
	s0 =	sld [smem:$0x3FA8]  }
0x30: {  	s3 =	sld [smem:$0x3FAB]  }
0x31: {  	[smem:$0x3FB4] =	sst s10  }
0x32: {  	s10 =	sld [smem:$0x3FB2];
	_ =	sdelay $0x3  }
0x33: {  	p0 =	seq.s32 s10, $0x1;
	s10 =	sld [smem:$0x3FB4];
	_ =	sdelay $0x3  }
0x34: {  	[smem:$0x3FB4] =	sst s10  }
0x35: {  	s10 =	sld [smem:$0x3FB3];
	_ =	sdelay $0x3  }
0x36: {  	p1 =	seq.s32 s10, $0x1;
	s10 =	sld [smem:$0x3FB4];
	_ =	sdelay $0x3  }
0x37: {  	[smem:$0x3FB4] =	sst s10  }
0x38: {  	s10 =	sld [smem:$0x3FB5]  }
0x39: {  	_ = 	snop;
	(pc) =	sbr.ind lr, $3  }
0x3a: {  	_ = 	snop  }
0x3b: {  	_ = 	snop  }
0x3c: {  	p2 =	seq.s32 s10, $0x1;
	s10 =	sld [smem:$0x3FB4]  }
0x3d: {  	_ =	shalt  }
0x3e: {  	_ =	shalt  }
0x3f: {  	_ =	shalt  }
0x40: {  	_ =	shalt  }
0x41: {  	_ =	shalt  }
0x42: {  	_ =	shalt  }
0x43: {  	_ =	shalt  }
0x44: {  	_ =	shalt  }
0x45: {  	_ =	shalt  }
0x46: {  	_ =	shalt  }
0x47: {  	_ =	shalt  }
0x48: {  	_ =	shalt  }
0x49: {  	_ =	shalt  }
0x4a: {  	_ =	shalt  }
0x4b: {  	_ =	shalt  }
0x4c: {  	_ =	shalt  }
0x4d: {  	_ =	shalt  }
0x4e: {  	_ =	shalt  }
0x4f: {  	_ =	shalt  }
0x50: {  	_ =	shalt  }
0x51: {  	_ =	shalt  }
0x52: {  	_ =	shalt  }
0x53: {  	_ =	shalt  }
0x54: {  	_ =	shalt  }
0x55: {  	_ =	shalt  }
0x56: {  	_ =	shalt  }
0x57: {  	_ =	shalt  }
0x58: {  	_ =	shalt  }
0x59: {  	_ =	shalt  }
0x5a: {  	_ =	shalt  }
0x5b: {  	_ =	shalt  }
0x5c: {  	_ =	shalt  }
0x5d: {  	_ =	shalt  }
0x5e: {  	_ =	shalt  }
0x5f: {  	_ =	shalt  }
0x60: {  	_ =	shalt  }
0x61: {  	_ =	shalt  }
0x62: {  	_ =	shalt  }
0x63: {  	_ =	shalt  }
0x64: {  	_ =	shalt  }
0x65: {  	_ =	shalt  }
0x66: {  	_ =	shalt  }
0x67: {  	_ =	shalt  }
0x68: {  	_ =	shalt  }
0x69: {  	_ =	shalt  }
0x6a: {  	_ =	shalt  }
0x6b: {  	_ =	shalt  }
0x6c: {  	_ =	shalt  }
0x6d: {  	_ =	shalt  }
0x6e: {  	_ =	shalt  }
0x6f: {  	_ =	shalt  }
0x70: {  	_ =	shalt  }
0x71: {  	_ =	shalt  }
0x72: {  	_ =	shalt  }
0x73: {  	_ =	shalt  }
0x74: {  	_ =	shalt  }
0x75: {  	_ =	shalt  }
0x76: {  	_ =	shalt  }
0x77: {  	_ =	shalt  }
0x78: {  	_ =	shalt  }
0x79: {  	_ =	shalt  }
0x7a: {  	_ =	shalt  }
0x7b: {  	_ =	shalt  }
0x7c: {  	_ =	shalt  }
0x7d: {  	_ =	shalt  }
0x7e: {  	_ =	shalt  }
0x7f: {  	_ =	shalt  }
0x80: {  	_ =	shalt  }
0x81: {  	_ =	shalt  }
0x82: {  	_ =	shalt  }
0x83: {  	_ =	shalt  }
0x84: {  	_ =	shalt  }
0x85: {  	_ =	shalt  }
0x86: {  	_ =	shalt  }
0x87: {  	_ =	shalt  }
.Lfunc_end0:
.L_simem_size_0:
called_computation_lowered:
.L_overlay_start_0:
0x88: {  	s2 =	sld [smem:$0x3FD9]  }
0x89: {  	s3 =	sld [smem:$0x3FFE];
	_ =	sdelay $0x1  }
0x8a: {  	s1 =	srdreg.scid  }
0x8b: {  	s0 =	sand.u32 $0x1, s1  }
0x8c: {  	s16 =	sshll.u32 s0, $0xA;
	s2 =	sadd.s32 s3, s2  }
0x8d: {  	s2 =	sadd.s32 s2, s16  }
0x8e: {  	[smem:$0x3FC0] =	sst s2  }
0x8f: {  	_ = 	snop  }
0x90: {  	(tm) =	ssettm $0x1  }
0x91: {  	s17 =	sld [smem:$0x3FFB];
	_ =	sdelay $0x3  }
0x92: {  	_ =	strace s17  }
0x93: {  	s2 =	sld [smem:$0x3FFC];
	_ =	sdelay $0x3  }
0x94: {  	_ =	strace s2  }
0x95: {  	s2 =	sld [smem:$0x3FFD];
	_ =	sdelay $0x3  }
0x96: {  	_ =	strace s2  }
0x97: {  	_ =	strace $0x8FFFFFFF  }
0x98: {  	s18 =	sld [smem:$0x3FDB];
	_ =	sdelay $0x1  }
0x99: {  	s19 =	simm.s32 $_scs_section_size  }
0x9a: {  	s4 =	simm.s32 $_size__tile_overlayer_lowered;
	s5 =	simm.s32 $_tile_overlayer_lowered  }
0x9b: {  	s22 =	simm.s32 $0x1BFF;
	s21 =	sshll.u32 s5, $0x1;
	s2 =	sadd.s32 s19, s18  }
0x9c: {  	s6 =	simm.s32 $0x0;
	s20 =	sshll.u32 s4, $0x1;
	s4 =	sadd.s32 s21, s2  }
0x9d: {  	[timem:s6], [sflag:s22] =	dma.local [hbm:s4], s20  }
0x9e: {  	_ =	swait.ge [sflag:s22], s20  }
0x9f: {  	s3 =	ssub.s32 $0x0, s20;
	[sflag:s22] =	ssyncset.done $0x0  }
0xa0: {  	[sflag:s22] =	ssyncadd.s32 s3;
	_ =	sdelay $0x1  }
0xa1: {  	s23 =	simm.s32 $0x1B8B  }
0xa2: {  	_ =	swait.ge [sflag:s23], $0x1  }
0xa3: {  	[sflag:s23] =	ssyncset.done $0x0  }
0xa4: {  	s25 =	simm.s32 $0x1B8E;
	s24 =	sld [smem:$0x3FFE];
	[sflag:s23] =	ssyncadd.s32 $0xFFFFFFFF  }
0xa5: {  	s26 =	simm.s32 $execute0_lowered;
	[smem:$0x3FD2] =	sst s25  }
0xa6: {  	s4 =	sshll.u32 s26, $0x1;
	_ =	strace $0x80000046;
	[dreg:$0x1] =	wrdreg $0xFFFFFFFF  }
0xa7: {  	s28 =	simm.s32 $_size_execute0_lowered;
	s2 =	sadd.s32 s2, s4;
	[dreg:$0x0] =	wrdreg $0x0  }
0xa8: {  	s4 =	sshll.u32 s28, $0x1;
	[dreg:$0x2] =	wrdreg s2  }
0xa9: {  	[dreg:$0x3] =	wrdreg s4  }
0xaa: {  	[dreg:$0x4] =	wrdreg $0xC0  }
0xab: {  	_ =	task [dreg:s6], $0x5FFFF  }
0xac: {  	[dreg:$0x1] =	wrdreg $0xFFFFFFFF  }
0xad: {  	[dreg:$0x0] =	wrdreg $0x60  }
0xae: {  	[dreg:$0x2] =	wrdreg s24  }
0xaf: {  	[dreg:$0x3] =	wrdreg $0x90000  }
0xb0: {  	[dreg:$0x4] =	wrdreg $0x9  }
0xb1: {  	_ =	task.clear_ibuf [dreg:s6], $0x5FFFF;
	_ =	strace $0x90000046  }
0xb2: {  	s29 =	simm.s32 $0x9;
	_ =	strace $0x80000048  }
0xb3: {  	_ =	swait.ge [sflag:s29], $0x1  }
0xb4: {  	[sflag:s29] =	ssyncadd.s32 $0xFFFFFFFF  }
0xb5: {  	_ =	strace $0x90000048  }
0xb6: {  	_ =	sfence  }
0xb7: {  	s30 =	sld [smem:$0x0];
	_ =	sdelay $0x2  }
0xb8: {  	s31 =	sshll.u32 s1, $0xD;
	s1 =	sshrl.u32 s1, $0x2  }
0xb9: {  	s3 =	sand.u32 $0x4000, s31;
	s1 =	sadd.s32 s1, s30  }
0xba: {  	s0 =	sor.u32 s3, s0;
	s1 =	sshll.u32 s1, $0x11  }
0xbb: {  	s0 =	sor.u32 s1, s0  }
0xbc: {  	s0 =	sadd.s32 $0x8F2B, s0  }
0xbd: {  	[sflag:s0] =	ssyncadd.remote.s32 $0x1  }
0xbe: {  	_ =	sfence.sel $0xFFFF  }
0xbf: {  	[dreg:$0x0] =	wrdreg $0xFFFFFFFF;
	(pc) =	sbr.abs _section_cstart, $3  }
0xc0: {  	[dreg:$0x1] =	wrdreg $0xFFFFFFFF  }
0xc1: {  	_ =	task.clear_ibuf [dreg:s6], $0x2FFFF;
	_ =	strace $0x9FFFFFFF  }
0xc2: {  	(tm) =	ssettm $0x7FFFFFFF  }
0xc3: {  	_ =	shalt  }
tec
execute0_lowered:
.L_overlay_start_1:
0x0: {  	(tag) =	ssettag $0x1  }
0x1: {  	s1 =	srdreg.scid;
	s7 =	rddreg [dreg:$0x0]  }
0x2: {  	s0 =	stileid.u32;
	s2 =	rddreg [dreg:$0x1]  }
0x3: {  	s3 =	simm.s32 $0x0;
	s28 =	simm.s32 $0x80;
	s29 =	simm.s32 $0x0  }
0x4: {  	s8 =	sand.u32 $0x1, s1;
	s25 =	sshll.u32 s0, $0x1;
	s1 =	rddreg [dreg:$0x2]  }
0x5: {  	[smem:$0x7FF] =	sst s3;
	s5 =	sadd.s32 $0x16800, s7;
	s12 =	smul.u32 $0x50000, s0  }
0x6: {  	s6 =	sadd.s32 $0x17000, s7;
	s23 =	sadd.s32 $0x18000, s7;
	s20 =	smul.u32 $0x14000, s0  }
0x7: {  	s4 =	sor.u32 s8, s25;
	s10 =	ssub.s32 $0x2, s8;
	s21 =	smul.u32 $0x140000, s8  }
0x8: {  	_ =	strace $0x80000047;
	s4 =	smul.u32 $0x2800, s4;
	s11 =	sshrl.u32 s10, $0x1  }
0x9: {  	s26 =	sshrl.u32 s12, $0x2;
	s16 =	sadd.s32 $0x4000, s20;
	s18 =	sadd.s32 $0x8000, s20  }
0xa: {  	s22 =	sadd.s32 $0xC000, s20;
	s25 =	sadd.s32 $0x10000, s20;
	s10 =	ssub.s32 s10, s11  }
0xb: {  	s15 =	sadd.s32 s21, s20;
	s17 =	sadd.s32 s21, s16;
	s16 =	sadd.s32 s16, s2  }
0xc: {  	s19 =	sadd.s32 s21, s18;
	s18 =	sadd.s32 s18, s2;
	s24 =	sadd.s32 s21, s22  }
0xd: {  	s20 =	sadd.s32 s22, s2;
	s31 =	sadd.s32 s21, s25;
	s22 =	sadd.s32 s25, s2  }
0xe: {  	s25 =	simm.s32 $0x2800;
	s4 =	sshrl.u32 s4, $0x3;
	s10 =	smax.u32 s10, $0x1  }
0xf: {  	s15 =	sshrl.u32 s15, $0x3;
	s17 =	sshrl.u32 s17, $0x3;
	s19 =	sshrl.u32 s19, $0x3  }
0x10: {  	s30 =	sshrl.u32 s24, $0x3;
	s24 =	sshrl.u32 s31, $0x3;
	s9 =	sadd.s32 s4, s7  }
0x11: {  	s4 =	sadd.s32 $0x17800, s7;
	s15 =	sadd.s32 s23, s15;
	s17 =	sadd.s32 s23, s17  }
0x12: {  	s19 =	sadd.s32 s23, s19;
	s21 =	sadd.s32 s23, s30;
	s23 =	sadd.s32 s23, s24  }
0x13: {  	s7 =	sadd.s32 $0x2800, s9;
	s8 =	sadd.s32 $0xC800, s9;
	s9 =	sadd.s32 s26, s2  }
0x14: {  	s24 =	simm.s32 $0x1;
	s26 =	simm.s32 $0x5000;
	s11 =	sadd.s32 $0x4000, s9  }
0x15: {  	s12 =	sadd.s32 $0x8000, s9;
	s13 =	sadd.s32 $0xC000, s9;
	s14 =	sadd.s32 $0x10000, s9  }
.LBB2_1:
0x16: {  	[tilespmem:s3], [sflag:$0x1] =	stream.linear.gather [hbm4b:s7+s3], $0x2780, $0x38;
	[tilespmem:$0x1D000] =	vst v63  }
0x17: {  	_ =	swait.ge [sflag:s24], $0x2780  }
0x18: {  	[sflag:s24] =	ssyncset.done $0x0  }
0x19: {  	[sflag:s24] =	ssyncadd.s32 $0xFFFFD880  }
0x1a: {  	[tilespmem:s25], [sflag:$0x1] =	stream.linear.gather [hbm4b:s8+s3], $0x2780, $0x38;
	[tilespmem:$0x1D000] =	vst v63  }
0x1b: {  	_ =	swait.ge [sflag:s24], $0x2780  }
0x1c: {  	[sflag:s24] =	ssyncset.done $0x0  }
0x1d: {  	[sflag:s24] =	ssyncadd.s32 $0xFFFFD880  }
0x1e: {  	[tilespmem:s26], [sflag:$0x1] =	stream.linear.gather [hbm4b:s4+s3], $0x4000, $0x38;
	[tilespmem:$0x1D000] =	vst v63  }
0x1f: {  	_ =	swait.ge [sflag:s24], $0x4000  }
0x20: {  	[sflag:s24] =	ssyncset.done $0x0  }
0x21: {  	[sflag:s24] =	ssyncadd.s32 $0xFFFFC000  }
0x22: {  	[spmem:s9] =	stream.linear.scatter [tilespmem:s26], [sflag:$0x1], $0x4000, $0x38;
	[tilespmem:$0x1D000] =	vst v63  }
0x23: {  	_ =	swait.ge [sflag:s24], $0x4000  }
0x24: {  	[sflag:s24] =	ssyncset.done $0x0  }
0x25: {  	[sflag:s24] =	ssyncadd.s32 $0xFFFFC000  }
0x26: {  	[spmem:s11] =	stream.linear.scatter [tilespmem:s26], [sflag:$0x1], $0x4000, $0x38;
	[tilespmem:$0x1D000] =	vst v63  }
0x27: {  	_ =	swait.ge [sflag:s24], $0x4000  }
0x28: {  	[sflag:s24] =	ssyncset.done $0x0  }
0x29: {  	[sflag:s24] =	ssyncadd.s32 $0xFFFFC000  }
0x2a: {  	[spmem:s12] =	stream.linear.scatter [tilespmem:s26], [sflag:$0x1], $0x4000, $0x38;
	[tilespmem:$0x1D000] =	vst v63  }
0x2b: {  	_ =	swait.ge [sflag:s24], $0x4000  }
0x2c: {  	[sflag:s24] =	ssyncset.done $0x0  }
0x2d: {  	[sflag:s24] =	ssyncadd.s32 $0xFFFFC000  }
0x2e: {  	[spmem:s13] =	stream.linear.scatter [tilespmem:s26], [sflag:$0x1], $0x4000, $0x38;
	[tilespmem:$0x1D000] =	vst v63  }
0x2f: {  	_ =	swait.ge [sflag:s24], $0x4000  }
0x30: {  	[sflag:s24] =	ssyncset.done $0x0  }
0x31: {  	[sflag:s24] =	ssyncadd.s32 $0xFFFFC000  }
0x32: {  	[spmem:s14] =	stream.linear.scatter [tilespmem:s26], [sflag:$0x1], $0x4000, $0x38;
	[tilespmem:$0x1D000] =	vst v63  }
0x33: {  	_ =	swait.ge [sflag:s24], $0x4000  }
0x34: {  	[sflag:s24] =	ssyncset.done $0x0  }
0x35: {  	[sflag:s24] =	ssyncadd.s32 $0xFFFFC000  }
0x36: {  	[bflag:$0x0] =	sbarrier.arrive $0xFFFF  }
0x37: {  	[tilespmem:s26], [sflag:$0x1] =	stream.linear.gather [hbm4b:s5+s3], $0x4000, $0x38;
	[tilespmem:$0x1D000] =	vst v63  }
0x38: {  	_ =	swait.ge [sflag:s24], $0x4000  }
0x39: {  	[sflag:s24] =	ssyncset.done $0x0  }
0x3a: {  	s30 =	simm.s32 $0x0;
	[sflag:s24] =	ssyncadd.s32 $0xFFFFC000  }
0x3b: {  	[spmem:s2] =	stream.indirect.scatter.add.f32 [tilespmem:s26], [sflag:$0x1], $0x80, s30, s28, $0xb8;
	[tilespmem:$0x1D000] =	vst v63  }
0x3c: {  	_ =	swait.ge [sflag:s24], $0x4000  }
0x3d: {  	s30 =	simm.s32 $0x200;
	[sflag:s24] =	ssyncset.done $0x0  }
.LBB2_2:
0x3e: {  	s31 =	sshra.s32 s30, $0x2;
	[sflag:s24] =	ssyncadd.s32 $0xFFFFC000;
	p0 =	sne.s32 s30, $0x9C00  }
0x3f: {  	[spmem:s2] =	stream.indirect.scatter.add.f32 [tilespmem:s26], [sflag:$0x1], $0x80, s31, s28, $0xb8;
	[tilespmem:$0x1D000] =	vst v63  }
.Ltmp0:
0x40: {  	_ = 	snop;
	(pc) =	sbr.rel @p0 .LBB2_2-.Ltmp0, $4  }
0x41: {  	_ = 	snop  }
0x42: {  	s30 =	sadd.s32 $0x200, s30  }
0x43: {  	_ =	swait.ge [sflag:s24], $0x4000  }
0x44: {  	[sflag:s24] =	ssyncset.done $0x0  }
0x45: {  	[sflag:s24] =	ssyncadd.s32 $0xFFFFC000;
	s30 =	simm.s32 $0x0  }
0x46: {  	[tilespmem:s26], [sflag:$0x1] =	stream.linear.gather [hbm4b:s6+s30], $0x4000, $0x38;
	[tilespmem:$0x1D000] =	vst v63  }
0x47: {  	_ =	swait.ge [sflag:s24], $0x4000  }
0x48: {  	[sflag:s24] =	ssyncset.done $0x0  }
0x49: {  	s30 =	simm.s32 $0x2800;
	[sflag:s24] =	ssyncadd.s32 $0xFFFFC000  }
0x4a: {  	[spmem:s2] =	stream.indirect.scatter.add.f32 [tilespmem:s26], [sflag:$0x1], $0x80, s30, s28, $0xb8;
	[tilespmem:$0x1D000] =	vst v63  }
0x4b: {  	s30 =	simm.s32 $0x200;
	_ =	swait.ge [sflag:s24], $0x4000  }
.LBB2_4:
0x4c: {  	s31 =	sshra.s32 s30, $0x2;
	[sflag:s24] =	ssyncset.done $0x0;
	p0 =	sne.s32 s30, $0x9C00  }
.Ltmp1:
0x4d: {  	s31 =	sadd.s32 $0x2800, s31;
	[sflag:s24] =	ssyncadd.s32 $0xFFFFC000;
	(pc) =	sbr.rel @p0 .LBB2_4-.Ltmp1, $3  }
0x4e: {  	[spmem:s2] =	stream.indirect.scatter.add.f32 [tilespmem:s26], [sflag:$0x1], $0x80, s31, s28, $0xb8;
	[tilespmem:$0x1D000] =	vst v63  }
0x4f: {  	s30 =	sadd.s32 $0x200, s30;
	_ =	sdelay $0x1  }
0x50: {  	_ =	swait.ge [sflag:s24], $0x4000  }
0x51: {  	[sflag:s24] =	ssyncset.done $0x0  }
0x52: {  	[sflag:s24] =	ssyncadd.s32 $0xFFFFC000  }
0x53: {  	[bflag:$0x0] =	sbarrier.arrive $0xFFFF  }
0x54: {  	[tilespmem:s26], [sflag:$0x1] =	stream.linear.gather [spmem:s9], $0x4000, $0x38;
	[tilespmem:$0x1D000] =	vst v63  }
0x55: {  	_ =	swait.ge [sflag:s24], $0x4000  }
0x56: {  	[sflag:s24] =	ssyncset.done $0x0  }
0x57: {  	[sflag:s24] =	ssyncadd.s32 $0xFFFFC000  }
0x58: {  	[hbm4b:s15+s3] =	stream.linear.scatter [tilespmem:s26], [sflag:$0x1], $0x4000, $0x38;
	[tilespmem:$0x1D000] =	vst v63  }
0x59: {  	_ =	swait.ge [sflag:s24], $0x4000  }
0x5a: {  	[sflag:s24] =	ssyncset.done $0x0  }
0x5b: {  	[sflag:s24] =	ssyncadd.s32 $0xFFFFC000  }
0x5c: {  	[tilespmem:s26], [sflag:$0x1] =	stream.linear.gather [spmem:s16], $0x4000, $0x38;
	[tilespmem:$0x1D000] =	vst v63  }
0x5d: {  	_ =	swait.ge [sflag:s24], $0x4000  }
0x5e: {  	[sflag:s24] =	ssyncset.done $0x0  }
0x5f: {  	[sflag:s24] =	ssyncadd.s32 $0xFFFFC000  }
0x60: {  	[hbm4b:s17+s3] =	stream.linear.scatter [tilespmem:s26], [sflag:$0x1], $0x4000, $0x38;
	[tilespmem:$0x1D000] =	vst v63  }
0x61: {  	_ =	swait.ge [sflag:s24], $0x4000  }
0x62: {  	[sflag:s24] =	ssyncset.done $0x0  }
0x63: {  	[sflag:s24] =	ssyncadd.s32 $0xFFFFC000  }
0x64: {  	[tilespmem:s26], [sflag:$0x1] =	stream.linear.gather [spmem:s18], $0x4000, $0x38;
	[tilespmem:$0x1D000] =	vst v63  }
0x65: {  	_ =	swait.ge [sflag:s24], $0x4000  }
0x66: {  	[sflag:s24] =	ssyncset.done $0x0  }
0x67: {  	[sflag:s24] =	ssyncadd.s32 $0xFFFFC000  }
0x68: {  	[hbm4b:s19+s3] =	stream.linear.scatter [tilespmem:s26], [sflag:$0x1], $0x4000, $0x38;
	[tilespmem:$0x1D000] =	vst v63  }
0x69: {  	_ =	swait.ge [sflag:s24], $0x4000  }
0x6a: {  	[sflag:s24] =	ssyncset.done $0x0  }
0x6b: {  	[sflag:s24] =	ssyncadd.s32 $0xFFFFC000  }
0x6c: {  	[tilespmem:s26], [sflag:$0x1] =	stream.linear.gather [spmem:s20], $0x4000, $0x38;
	[tilespmem:$0x1D000] =	vst v63  }
0x6d: {  	_ =	swait.ge [sflag:s24], $0x4000  }
0x6e: {  	[sflag:s24] =	ssyncset.done $0x0  }
0x6f: {  	[sflag:s24] =	ssyncadd.s32 $0xFFFFC000  }
0x70: {  	[hbm4b:s21+s3] =	stream.linear.scatter [tilespmem:s26], [sflag:$0x1], $0x4000, $0x38;
	[tilespmem:$0x1D000] =	vst v63  }
0x71: {  	_ =	swait.ge [sflag:s24], $0x4000  }
0x72: {  	[sflag:s24] =	ssyncset.done $0x0  }
0x73: {  	[sflag:s24] =	ssyncadd.s32 $0xFFFFC000  }
0x74: {  	[tilespmem:s26], [sflag:$0x1] =	stream.linear.gather [spmem:s22], $0x4000, $0x38;
	[tilespmem:$0x1D000] =	vst v63  }
0x75: {  	s29 =	sadd.s32 $0x1, s29;
	_ =	swait.ge [sflag:s24], $0x4000  }
0x76: {  	p0 =	sne.s32 s29, s10;
	[sflag:s24] =	ssyncset.done $0x0  }
.Ltmp2:
0x77: {  	[sflag:s24] =	ssyncadd.s32 $0xFFFFC000;
	(pc) =	sbr.rel @p0 .LBB2_1-.Ltmp2, $4  }
0x78: {  	[hbm4b:s23+s3] =	stream.linear.scatter [tilespmem:s26], [sflag:$0x1], $0x4000, $0x38;
	[tilespmem:$0x1D000] =	vst v63  }
0x79: {  	_ =	swait.ge [sflag:s24], $0x4000  }
0x7a: {  	[sflag:s24] =	ssyncset.done $0x0  }
0x7b: {  	[sflag:s24] =	ssyncadd.s32 $0xFFFFC000  }
0x7c: {  	_ =	sfence.sel $0x180000  }
0x7d: {  	[bflag:$0x0] =	sbarrier.arrive $0xFFFF  }
0x7e: {  	p0 =	sne.s32 s0, $0x0;
	_ =	strace $0x90000047  }
0x7f: {  	s0 =	sadd.s32 @!p0 $0x100000, s1;
	[bflag:$0x2] =	sbarrier.arrive $0xFFFF  }
0x80: {  	[sflag:s0] =	ssyncadd.tile.s32 @!p0 $0x1;
	_ =	shalt  }
.Lfunc_end2:
_tile_overlayer_lowered:
.L_overlay_start_2:
0x81: {  	(tag) =	ssettag $0x2  }
0x82: {  	s0 =	rddreg [dreg:$0x0];
	s2 =	stileid.u32  }
0x83: {  	s1 =	rddreg [dreg:$0x1];
	p0 =	sne.s32 s2, $0x0  }
0x84: {  	s3 =	rddreg [dreg:$0x2];
	[bflag:$0x3] =	sbarrier.arrive $0xFFFF;
	s2 =	simm.s32 @!p0 $0x1C01  }
0x85: {  	[timem:s3], [sflag:s2] =	dma.local @!p0 [hbm:s0], s1  }
0x86: {  	s0 =	simm.s32 @!p0 $0x1  }
0x87: {  	_ =	swait.ge @!p0 [sflag:s0], s1  }
0x88: {  	s1 =	ssub.s32 @!p0 $0x0, s1;
	[sflag:s0] =	ssyncset.done @!p0 $0x0  }
0x89: {  	[sflag:s0] =	ssyncadd.s32 @!p0 s1  }
0x8a: {  	[bflag:$0x3] =	sbarrier.arrive $0xFFFF  }
0x8b: {  	_ =	shalt  }

</sc_bundles>
